<compile_context>
chip_gen: v7x
topology: tpu7x:2x2x1
jax: 0.10.2.dev20260603
libtpu: 0.0.44.dev20260713+nightly
codegen_flags: <defaults>
</compile_context>

<pallas_src>
import functools

import jax
import jax.numpy as jnp
from jax import lax
from jax.experimental import pallas as pl
from jax.experimental.pallas import tpu as pltpu
from jax.experimental.pallas import tpu_sc as plsc

B, S, H = 1, 2048, 1024
E, TOPK = 8, 2
I_MOE = 512
EPS = 1e-06
T = B * S
CAP = (T * TOPK // E) * 2
TRASH = E * CAP
BUF_ROWS = E * CAP + CAP
TB = 256
BLK = 256
NW = 32
CHT = T // NW


PK = H // 2


def _pack2(x):
    a = x[:, :PK].astype(jnp.bfloat16).astype(jnp.float32)
    b = x[:, PK:].astype(jnp.bfloat16).astype(jnp.float32)
    ai = lax.shift_right_logical(lax.bitcast_convert_type(a, jnp.int32), 16)
    bi = lax.bitwise_and(lax.bitcast_convert_type(b, jnp.int32),
                         jnp.int32(-65536))
    return lax.bitwise_or(ai, bi)


def _unpack2(w):
    a = lax.bitcast_convert_type(lax.shift_left(w, 16), jnp.float32)
    b = lax.bitcast_convert_type(lax.bitwise_and(w, jnp.int32(-65536)),
                                 jnp.float32)
    return jnp.concatenate([a, b], axis=1).astype(jnp.bfloat16)


def _router_body(hid_ref, lnw_ref, gw_ref,
                 xn_ref, wk0_ref, wk1_ref, cidx0_ref, cidx1_ref,
                 sidx0_ref, sidx1_ref, cnt_ref, carry_ref):
    pid = pl.program_id(0)

    @pl.when(pid == 0)
    def _():
        carry_ref[...] = jnp.zeros((1, E), jnp.float32)

    h = hid_ref[...]
    var = jnp.mean(h * h, axis=1, keepdims=True)
    xn = h * lax.rsqrt(var + EPS) * lnw_ref[...]
    xn_ref[...] = _pack2(xn)

    logits = lax.dot_general(xn, gw_ref[...], (((1,), (1,)), ((), ())),
                             preferred_element_type=jnp.float32)
    m = jnp.max(logits, axis=1, keepdims=True)
    ex = jnp.exp(logits - m)
    p = ex / jnp.sum(ex, axis=1, keepdims=True)

    j = lax.broadcasted_iota(jnp.int32, (TB, E), 1)
    m1 = jnp.max(p, axis=1, keepdims=True)
    i1 = jnp.min(jnp.where(p == m1, j, E), axis=1, keepdims=True)
    oh1 = j == i1
    p2 = jnp.where(oh1, -1.0, p)
    m2 = jnp.max(p2, axis=1, keepdims=True)
    i2 = jnp.min(jnp.where(p2 == m2, j, E), axis=1, keepdims=True)
    oh2 = j == i2
    w1 = jnp.sum(jnp.where(oh1, p, 0.0), axis=1, keepdims=True)
    w2 = jnp.sum(jnp.where(oh2, p, 0.0), axis=1, keepdims=True)
    s = w1 + w2 + 1e-20
    w1 = w1 / s
    w2 = w2 / s

    oh1f = oh1.astype(jnp.float32)
    oh2f = oh2.astype(jnp.float32)
    r = lax.broadcasted_iota(jnp.int32, (TB, TB), 0)
    c = lax.broadcasted_iota(jnp.int32, (TB, TB), 1)
    tri = (c <= r).astype(jnp.float32)
    cum1 = jnp.dot(tri, oh1f, preferred_element_type=jnp.float32)
    cum2 = jnp.dot(tri, oh2f, preferred_element_type=jnp.float32)
    mx = carry_ref[...] + cum1 + cum2 - oh1f - oh2f
    pos1 = jnp.sum(jnp.where(oh1, mx, 0.0), axis=1, keepdims=True).astype(jnp.int32)
    pos2 = jnp.sum(jnp.where(oh2, mx, 0.0), axis=1, keepdims=True).astype(jnp.int32)
    newc = carry_ref[...] + jnp.sum(oh1f + oh2f, axis=0, keepdims=True)
    carry_ref[...] = newc
    cnt_ref[...] = newc.astype(jnp.int32)

    slot1 = i1 * CAP + pos1
    slot2 = i2 * CAP + pos2
    keep1 = pos1 < CAP
    keep2 = pos2 < CAP
    cidx0_ref[...] = jnp.where(keep1, slot1, i1 * CAP)
    cidx1_ref[...] = jnp.where(keep2, slot2, i2 * CAP)
    sidx0_ref[...] = jnp.where(keep1, slot1, TRASH)
    sidx1_ref[...] = jnp.where(keep2, slot2, TRASH)
    wk0_ref[...] = jnp.where(keep1, w1, 0.0)
    wk1_ref[...] = jnp.where(keep2, w2, 0.0)


def _router(x, gate_weight, ln_weight):
    n = T // TB
    col = jax.ShapeDtypeStruct((T, 1), jnp.float32)
    coli = jax.ShapeDtypeStruct((T, 1), jnp.int32)
    return pl.pallas_call(
        _router_body,
        grid=(n,),
        in_specs=[
            pl.BlockSpec((TB, H), lambda i: (i, 0)),
            pl.BlockSpec((1, H), lambda i: (0, 0)),
            pl.BlockSpec((E, H), lambda i: (0, 0)),
        ],
        out_specs=[
            pl.BlockSpec((TB, PK), lambda i: (i, 0)),
            pl.BlockSpec((TB, 1), lambda i: (i, 0)),
            pl.BlockSpec((TB, 1), lambda i: (i, 0)),
            pl.BlockSpec((TB, 1), lambda i: (i, 0)),
            pl.BlockSpec((TB, 1), lambda i: (i, 0)),
            pl.BlockSpec((TB, 1), lambda i: (i, 0)),
            pl.BlockSpec((TB, 1), lambda i: (i, 0)),
            pl.BlockSpec((1, E), lambda i: (0, 0)),
        ],
        out_shape=[
            jax.ShapeDtypeStruct((T, PK), jnp.int32),
            col, col, coli, coli, coli, coli,
            jax.ShapeDtypeStruct((1, E), jnp.int32),
        ],
        scratch_shapes=[pltpu.VMEM((1, E), jnp.float32)],
    )(x, ln_weight.reshape(1, H), gate_weight)


def _moe_scatter(xn, sidx0, sidx1):
    mesh = plsc.VectorSubcoreMesh(core_axis_name="c", subcore_axis_name="s")

    @functools.partial(
        pl.kernel,
        mesh=mesh,
        out_type=jax.ShapeDtypeStruct((BUF_ROWS, PK), jnp.int32),
        scratch_types=[
            pltpu.VMEM((CHT,), jnp.int32),
            pltpu.VMEM((CHT, PK), jnp.int32),
            pltpu.SemaphoreType.DMA,
        ],
    )
    def scat(xn_hbm, s0_hbm, s1_hbm, buf_hbm, idx_v, rows_v, sem):
        wid = lax.axis_index("s") * 2 + lax.axis_index("c")
        base = wid * CHT
        pltpu.sync_copy(xn_hbm.at[pl.ds(base, CHT)], rows_v)
        pltpu.sync_copy(s0_hbm.at[pl.ds(base, CHT)], idx_v)
        pltpu.async_copy(rows_v, buf_hbm.at[idx_v], sem).wait()
        pltpu.sync_copy(s1_hbm.at[pl.ds(base, CHT)], idx_v)
        pltpu.async_copy(rows_v, buf_hbm.at[idx_v], sem).wait()

    return scat(xn, sidx0, sidx1)


def _ffn_body(cnt_ref, buf_ref, w13_ref, w2_ref, eo_ref):
    e = pl.program_id(0)
    cnt = cnt_ref[0, e]
    w13b = w13_ref[0].astype(jnp.bfloat16)
    w2b = w2_ref[0].astype(jnp.bfloat16)
    for sub in range(CAP // BLK):
        base = sub * BLK

        @pl.when((sub == 0) | (base < cnt))
        def _(base=base):
            ridx = lax.broadcasted_iota(jnp.int32, (BLK, 1), 0) + base
            x = jnp.where(ridx < cnt, _unpack2(buf_ref[pl.ds(base, BLK), :]),
                          jnp.bfloat16(0))
            gu = lax.dot_general(x, w13b, (((1,), (0,)), ((), ())),
                                 preferred_element_type=jnp.float32)
            g = gu[:, :I_MOE]
            u = gu[:, I_MOE:]
            a = (g * lax.logistic(g) * u).astype(jnp.bfloat16)
            eo_ref[pl.ds(base, BLK), :] = _pack2(
                lax.dot_general(a, w2b, (((1,), (0,)), ((), ())),
                                preferred_element_type=jnp.float32))


def _expert_ffn(cnt, buf, w1w3, w2):
    return pl.pallas_call(
        _ffn_body,
        grid=(E,),
        in_specs=[
            pl.BlockSpec(memory_space=pltpu.SMEM),
            pl.BlockSpec((CAP, PK), lambda e: (e, 0)),
            pl.BlockSpec((1, H, 2 * I_MOE), lambda e: (e, 0, 0)),
            pl.BlockSpec((1, I_MOE, H), lambda e: (e, 0, 0)),
        ],
        out_specs=pl.BlockSpec((CAP, PK), lambda e: (e, 0)),
        out_shape=jax.ShapeDtypeStruct((E * CAP, PK), jnp.int32),
    )(cnt, buf, w1w3, w2)


def _combine_gather(eo, cidx0, cidx1):
    mesh = plsc.VectorSubcoreMesh(core_axis_name="c", subcore_axis_name="s")

    @functools.partial(
        pl.kernel,
        mesh=mesh,
        out_type=(
            jax.ShapeDtypeStruct((T, PK), jnp.int32),
            jax.ShapeDtypeStruct((T, PK), jnp.int32),
        ),
        scratch_types=[
            pltpu.VMEM((CHT,), jnp.int32),
            pltpu.VMEM((CHT, PK), jnp.int32),
            pltpu.SemaphoreType.DMA,
        ],
    )
    def gath(eo_hbm, c0_hbm, c1_hbm, g0_hbm, g1_hbm, idx_v, rows_v, sem):
        wid = lax.axis_index("s") * 2 + lax.axis_index("c")
        base = wid * CHT
        pltpu.sync_copy(c0_hbm.at[pl.ds(base, CHT)], idx_v)
        pltpu.async_copy(eo_hbm.at[idx_v], rows_v, sem).wait()
        pltpu.sync_copy(rows_v, g0_hbm.at[pl.ds(base, CHT)])
        pltpu.sync_copy(c1_hbm.at[pl.ds(base, CHT)], idx_v)
        pltpu.async_copy(eo_hbm.at[idx_v], rows_v, sem).wait()
        pltpu.sync_copy(rows_v, g1_hbm.at[pl.ds(base, CHT)])

    return gath(eo, cidx0, cidx1)


def _shared_body(xn_ref, sg_ref, su_ref, sd_ref, sh_ref):
    sgb = sg_ref[...].astype(jnp.bfloat16)
    sub = su_ref[...].astype(jnp.bfloat16)
    sdb = sd_ref[...].astype(jnp.bfloat16)
    SB = 512
    for s in range(T // SB):
        xb = _unpack2(xn_ref[pl.ds(s * SB, SB), :])
        g = lax.dot_general(xb, sgb, (((1,), (0,)), ((), ())),
                            preferred_element_type=jnp.float32)
        u = lax.dot_general(xb, sub, (((1,), (0,)), ((), ())),
                            preferred_element_type=jnp.float32)
        a = (g * lax.logistic(g) * u).astype(jnp.bfloat16)
        sh_ref[pl.ds(s * SB, SB), :] = lax.dot_general(
            a, sdb, (((1,), (0,)), ((), ())),
            preferred_element_type=jnp.float32).astype(jnp.bfloat16)


def _shared_ffn(xn, sg, su, sd):
    i_sh = sg.shape[1]
    return pl.pallas_call(
        _shared_body,
        in_specs=[
            pl.BlockSpec((T, PK), lambda: (0, 0)),
            pl.BlockSpec((H, i_sh), lambda: (0, 0)),
            pl.BlockSpec((H, i_sh), lambda: (0, 0)),
            pl.BlockSpec((i_sh, H), lambda: (0, 0)),
        ],
        out_specs=pl.BlockSpec((T, H), lambda: (0, 0)),
        out_shape=jax.ShapeDtypeStruct((T, H), jnp.bfloat16),
    )(xn, sg, su, sd)


def _combine_body(sh_ref, g0_ref, g1_ref, wk0_ref, wk1_ref, hid_ref, out_ref):
    out_ref[...] = (sh_ref[...].astype(jnp.float32)
                    + _unpack2(g0_ref[...]).astype(jnp.float32) * wk0_ref[...]
                    + _unpack2(g1_ref[...]).astype(jnp.float32) * wk1_ref[...]
                    + hid_ref[...])


def _combine(sh, g0, g1, wk0, wk1, hid):
    n = T // TB
    return pl.pallas_call(
        _combine_body,
        grid=(n,),
        in_specs=[
            pl.BlockSpec((TB, H), lambda i: (i, 0)),
            pl.BlockSpec((TB, PK), lambda i: (i, 0)),
            pl.BlockSpec((TB, PK), lambda i: (i, 0)),
            pl.BlockSpec((TB, 1), lambda i: (i, 0)),
            pl.BlockSpec((TB, 1), lambda i: (i, 0)),
            pl.BlockSpec((TB, H), lambda i: (i, 0)),
        ],
        out_specs=pl.BlockSpec((TB, H), lambda i: (i, 0)),
        out_shape=jax.ShapeDtypeStruct((T, H), jnp.float32),
    )(sh, g0, g1, wk0, wk1, hid)


def kernel(hidden_states, gate_weight, w1w3, w2, shared_gate, shared_up,
           shared_down, ln_weight):
    x = hidden_states.reshape(T, H)
    (xn, wk0, wk1, cidx0, cidx1, sidx0, sidx1, cnt) = _router(
        x, gate_weight, ln_weight)
    sh = _shared_ffn(xn, shared_gate, shared_up, shared_down)
    buf = _moe_scatter(xn, sidx0.reshape(T), sidx1.reshape(T))
    eo = _expert_ffn(cnt, buf, w1w3, w2)
    g0, g1 = _combine_gather(eo, cidx0.reshape(T), cidx1.reshape(T))
    out = _combine(sh, g0, g1, wk0, wk1, x)
    return out.reshape(B, S, H)

# --- scband reference (transcript-rebuilt; emitter-appended) ---
"""Pipeline reference for scband-mo-edecoder-layer-2877628088863 (READ-ONLY COPY).

The authoritative reference and input builder live on the scoring server;
editing this copy changes nothing except your own understanding.
"""

import jax, jax.numpy as jnp
import numpy as np

B, S, H = 1, 2048, 1024
E, K = 8, 2
I_MOE = 512
N_SHARED = 2
I_SH = 512 * N_SHARED
EPS = 1e-06
T = B * S
CAP = (T * K // E) * 2


def rmsnorm(x, w, eps=EPS):
    var = jnp.mean(jnp.square(x.astype(jnp.float32)), axis=-1, keepdims=True)
    return (x * jax.lax.rsqrt(var + eps)) * w


def setup_inputs(seed: int = 0) -> dict:
    key = jax.random.key(seed)
    ks = jax.random.split(key, 8)
    hidden_states = jax.random.normal(ks[0], (B, S, H), dtype=jnp.float32)
    gate_weight = jax.random.normal(ks[1], (E, H), dtype=jnp.float32) * 0.02
    w1w3 = jax.random.normal(ks[2], (E, H, 2 * I_MOE), dtype=jnp.float32) * 0.02
    w2 = jax.random.normal(ks[3], (E, I_MOE, H), dtype=jnp.float32) * 0.02
    shared_gate = jax.random.normal(ks[4], (H, I_SH), dtype=jnp.float32) * 0.02
    shared_up = jax.random.normal(ks[5], (H, I_SH), dtype=jnp.float32) * 0.02
    shared_down = jax.random.normal(ks[6], (I_SH, H), dtype=jnp.float32) * 0.02
    ln_weight = jnp.ones((H,), dtype=jnp.float32)
    return {
        'hidden_states': hidden_states,
        'gate_weight': gate_weight,
        'w1w3': w1w3,
        'w2': w2,
        'shared_gate': shared_gate,
        'shared_up': shared_up,
        'shared_down': shared_down,
        'ln_weight': ln_weight,
    }


def reference(hidden_states, gate_weight, w1w3, w2, shared_gate, shared_up, shared_down, ln_weight):
    residual = hidden_states
    h = rmsnorm(hidden_states, ln_weight)
    x = h.reshape(-1, H)
    # MoEGate: fp32 linear router
    logits = x.astype(jnp.float32) @ gate_weight.astype(jnp.float32).T
    probs = jax.nn.softmax(logits, axis=-1)
    topk_w, topk_ids = jax.lax.top_k(probs, K)
    topk_w = topk_w / (jnp.sum(topk_w, axis=-1, keepdims=True) + 1e-20)
    # dispatch (capacity-based, static shapes)
    flat_ids = topk_ids.reshape(-1)
    token_idx = jnp.arange(T * K) // K
    one_hot = (flat_ids[:, None] == jnp.arange(E)[None, :]).astype(jnp.int32)
    pos = jnp.sum(jnp.cumsum(one_hot, axis=0) * one_hot, axis=-1) - 1
    keep = (pos < CAP)
    slot = jnp.clip(flat_ids * CAP + pos, 0, E * CAP - 1)
    xr = jnp.where(keep[:, None], x[token_idx], 0.0)
    buf = jnp.zeros((E * CAP, H), dtype=x.dtype).at[slot].add(xr)
    buf = buf.reshape(E, CAP, H)
    # MoEBlock: fused_w1w3 grouped matmul, SwiGLU, fused_w2
    gate_up = jnp.einsum('ech,eho->eco', buf, w1w3)
    g, u = jnp.split(gate_up, 2, axis=-1)
    expert_out = jnp.einsum('eci,eih->ech', jax.nn.silu(g) * u, w2).reshape(E * CAP, H)
    # combine
    back = expert_out[slot] * keep[:, None].astype(x.dtype) * topk_w.reshape(-1)[:, None]
    combined = jnp.zeros((T, H), dtype=x.dtype).at[token_idx].add(back)
    # shared experts MoEMLP
    shared = (jax.nn.silu(x @ shared_gate) * (x @ shared_up)) @ shared_down
    out = (combined + shared).reshape(B, S, H) + residual
    return out

if __name__ == "__main__":
    import jax
    _d = setup_inputs()
    print(jax.jit(kernel)(*tuple(_d.values())))

</pallas_src>

<mosaic_0001>
#map = affine_map<(d0, d1) -> (0, 0)>
#map1 = affine_map<(d0, d1) -> (0)>
module attributes {stable_mosaic.version = 14 : i64} {
  func.func @scat(%arg0: i32, %arg1: i32, %arg2: memref<2048x512xi32, #tpu.memory_space<hbm>>, %arg3: memref<2048xi32, #tpu.memory_space<hbm>>, %arg4: memref<2048xi32, #tpu.memory_space<hbm>>, %arg5: memref<9216x512xi32, #tpu.memory_space<hbm>>, %arg6: memref<64xi32, #tpu.memory_space<vmem>>, %arg7: memref<64x512xi32, #tpu.memory_space<vmem>>, %arg8: memref<!tpu.dma_semaphore, #tpu.memory_space<semaphore_mem>>) attributes {dimension_semantics = [#tpu.dimension_semantics<core_parallel>, #tpu.dimension_semantics<subcore_parallel>], iteration_bounds = array<i64: 2, 16>, scalar_prefetch = 0 : i64, scratch_operands = 3 : i64, tpu.core_type = #tpu.core_type<sc_vector_subcore>, window_params = [{transform_indices = #map}, {transform_indices = #map1}, {transform_indices = #map1}, {transform_indices = #map}]} {
    %mul3A = arith.constant 2 : i32
    %mul3A_0 = arith.muli %arg1, %mul3A : i32
    %add3A = arith.addi %mul3A_0, %arg0 : i32
    %mul3A_1 = arith.constant 64 : i32
    %mul3A_2 = arith.muli %add3A, %mul3A_1 : i32
    "tpu.region"() ({
      %run_scoped3A = tpu.sem_alloc : memref<!tpu.dma_semaphore, #tpu.memory_space<semaphore_mem>>
      %dma_start3A_13 = arith.constant 0 : i32
      %dma_start3A_14 = tpu.memref_slice %arg2[%mul3A_2, %dma_start3A_13] : memref<2048x512xi32, #tpu.memory_space<hbm>> -> memref<64x512xi32, #tpu.memory_space<hbm>>
      %dma_start3A_15 = arith.constant 0 : i32
      %dma_start3A_16 = tpu.memref_slice %arg2[%mul3A_2, %dma_start3A_15] : memref<2048x512xi32, #tpu.memory_space<hbm>> -> memref<64x512xi32, #tpu.memory_space<hbm>>
      tpu.enqueue_dma source(%dma_start3A_16 : memref<64x512xi32, #tpu.memory_space<hbm>>) target(%arg7 : memref<64x512xi32, #tpu.memory_space<vmem>>) target_semaphore(%run_scoped3A : memref<!tpu.dma_semaphore, #tpu.memory_space<semaphore_mem>>)
      %dma_wait3A_17 = arith.constant 0 : i32
      %dma_wait3A_18 = tpu.memref_slice %arg2[%mul3A_2, %dma_wait3A_17] : memref<2048x512xi32, #tpu.memory_space<hbm>> -> memref<64x512xi32, #tpu.memory_space<hbm>>
      %dma_wait3A_19 = arith.constant 0 : i32
      %dma_wait3A_20 = tpu.memref_slice %arg2[%mul3A_2, %dma_wait3A_19] : memref<2048x512xi32, #tpu.memory_space<hbm>> -> memref<64x512xi32, #tpu.memory_space<hbm>>
      tpu.wait_dma2 semaphore(%run_scoped3A : memref<!tpu.dma_semaphore, #tpu.memory_space<semaphore_mem>>) src(%dma_wait3A_20 : memref<64x512xi32, #tpu.memory_space<hbm>>) dst(%arg7 : memref<64x512xi32, #tpu.memory_space<vmem>>)
      tpu.yield
    }) : () -> ()
    "tpu.region"() ({
      %run_scoped3A = tpu.sem_alloc : memref<!tpu.dma_semaphore, #tpu.memory_space<semaphore_mem>>
      %dma_start3A_13 = tpu.memref_slice %arg3[%mul3A_2] : memref<2048xi32, #tpu.memory_space<hbm>> -> memref<64xi32, #tpu.memory_space<hbm>>
      %dma_start3A_14 = tpu.memref_slice %arg3[%mul3A_2] : memref<2048xi32, #tpu.memory_space<hbm>> -> memref<64xi32, #tpu.memory_space<hbm>>
      tpu.enqueue_dma source(%dma_start3A_14 : memref<64xi32, #tpu.memory_space<hbm>>) target(%arg6 : memref<64xi32, #tpu.memory_space<vmem>>) target_semaphore(%run_scoped3A : memref<!tpu.dma_semaphore, #tpu.memory_space<semaphore_mem>>)
      %dma_wait3A_15 = tpu.memref_slice %arg3[%mul3A_2] : memref<2048xi32, #tpu.memory_space<hbm>> -> memref<64xi32, #tpu.memory_space<hbm>>
      %dma_wait3A_16 = tpu.memref_slice %arg3[%mul3A_2] : memref<2048xi32, #tpu.memory_space<hbm>> -> memref<64xi32, #tpu.memory_space<hbm>>
      tpu.wait_dma2 semaphore(%run_scoped3A : memref<!tpu.dma_semaphore, #tpu.memory_space<semaphore_mem>>) src(%dma_wait3A_16 : memref<64xi32, #tpu.memory_space<hbm>>) dst(%arg6 : memref<64xi32, #tpu.memory_space<vmem>>)
      tpu.yield
    }) : () -> ()
    %dma_start3A = arith.constant 0 : i32
    %dma_start3A_3 = arith.constant 0 : i32
    %dma_start3A_4 = tpu.memref_slice %arg5[%dma_start3A, %dma_start3A_3] : memref<9216x512xi32, #tpu.memory_space<hbm>> -> memref<9216x512xi32, #tpu.memory_space<hbm>>
    tpu.enqueue_indirect_dma source(%arg7 : memref<64x512xi32, #tpu.memory_space<vmem>>) target(%dma_start3A_4 : memref<9216x512xi32, #tpu.memory_space<hbm>>) offsets(%arg6 : memref<64xi32, #tpu.memory_space<vmem>>) semaphore(%arg8 : memref<!tpu.dma_semaphore, #tpu.memory_space<semaphore_mem>>)
    %dma_wait3A = arith.constant 0 : i32
    %dma_wait3A_5 = arith.constant 0 : i32
    %dma_wait3A_6 = tpu.memref_slice %arg5[%dma_wait3A, %dma_wait3A_5] : memref<9216x512xi32, #tpu.memory_space<hbm>> -> memref<9216x512xi32, #tpu.memory_space<hbm>>
    tpu.wait_indirect_dma semaphore(%arg8 : memref<!tpu.dma_semaphore, #tpu.memory_space<semaphore_mem>>) src(%arg7 : memref<64x512xi32, #tpu.memory_space<vmem>>) dst(%dma_wait3A_6 : memref<9216x512xi32, #tpu.memory_space<hbm>>)
    "tpu.region"() ({
      %run_scoped3A = tpu.sem_alloc : memref<!tpu.dma_semaphore, #tpu.memory_space<semaphore_mem>>
      %dma_start3A_13 = tpu.memref_slice %arg4[%mul3A_2] : memref<2048xi32, #tpu.memory_space<hbm>> -> memref<64xi32, #tpu.memory_space<hbm>>
      %dma_start3A_14 = tpu.memref_slice %arg4[%mul3A_2] : memref<2048xi32, #tpu.memory_space<hbm>> -> memref<64xi32, #tpu.memory_space<hbm>>
      tpu.enqueue_dma source(%dma_start3A_14 : memref<64xi32, #tpu.memory_space<hbm>>) target(%arg6 : memref<64xi32, #tpu.memory_space<vmem>>) target_semaphore(%run_scoped3A : memref<!tpu.dma_semaphore, #tpu.memory_space<semaphore_mem>>)
      %dma_wait3A_15 = tpu.memref_slice %arg4[%mul3A_2] : memref<2048xi32, #tpu.memory_space<hbm>> -> memref<64xi32, #tpu.memory_space<hbm>>
      %dma_wait3A_16 = tpu.memref_slice %arg4[%mul3A_2] : memref<2048xi32, #tpu.memory_space<hbm>> -> memref<64xi32, #tpu.memory_space<hbm>>
      tpu.wait_dma2 semaphore(%run_scoped3A : memref<!tpu.dma_semaphore, #tpu.memory_space<semaphore_mem>>) src(%dma_wait3A_16 : memref<64xi32, #tpu.memory_space<hbm>>) dst(%arg6 : memref<64xi32, #tpu.memory_space<vmem>>)
      tpu.yield
    }) : () -> ()
    %dma_start3A_7 = arith.constant 0 : i32
    %dma_start3A_8 = arith.constant 0 : i32
    %dma_start3A_9 = tpu.memref_slice %arg5[%dma_start3A_7, %dma_start3A_8] : memref<9216x512xi32, #tpu.memory_space<hbm>> -> memref<9216x512xi32, #tpu.memory_space<hbm>>
    tpu.enqueue_indirect_dma source(%arg7 : memref<64x512xi32, #tpu.memory_space<vmem>>) target(%dma_start3A_9 : memref<9216x512xi32, #tpu.memory_space<hbm>>) offsets(%arg6 : memref<64xi32, #tpu.memory_space<vmem>>) semaphore(%arg8 : memref<!tpu.dma_semaphore, #tpu.memory_space<semaphore_mem>>)
    %dma_wait3A_10 = arith.constant 0 : i32
    %dma_wait3A_11 = arith.constant 0 : i32
    %dma_wait3A_12 = tpu.memref_slice %arg5[%dma_wait3A_10, %dma_wait3A_11] : memref<9216x512xi32, #tpu.memory_space<hbm>> -> memref<9216x512xi32, #tpu.memory_space<hbm>>
    tpu.wait_indirect_dma semaphore(%arg8 : memref<!tpu.dma_semaphore, #tpu.memory_space<semaphore_mem>>) src(%arg7 : memref<64x512xi32, #tpu.memory_space<vmem>>) dst(%dma_wait3A_12 : memref<9216x512xi32, #tpu.memory_space<hbm>>)
    return
  }
}

#map = affine_map<(d0, d1) -> (0, 0)>
#map1 = affine_map<(d0, d1) -> (0)>
module attributes {stable_mosaic.version = 14 : i64} {
  func.func @gath(%arg0: i32, %arg1: i32, %arg2: memref<8192x512xi32, #tpu.memory_space<hbm>>, %arg3: memref<2048xi32, #tpu.memory_space<hbm>>, %arg4: memref<2048xi32, #tpu.memory_space<hbm>>, %arg5: memref<2048x512xi32, #tpu.memory_space<hbm>>, %arg6: memref<2048x512xi32, #tpu.memory_space<hbm>>, %arg7: memref<64xi32, #tpu.memory_space<vmem>>, %arg8: memref<64x512xi32, #tpu.memory_space<vmem>>, %arg9: memref<!tpu.dma_semaphore, #tpu.memory_space<semaphore_mem>>) attributes {dimension_semantics = [#tpu.dimension_semantics<core_parallel>, #tpu.dimension_semantics<subcore_parallel>], iteration_bounds = array<i64: 2, 16>, scalar_prefetch = 0 : i64, scratch_operands = 3 : i64, tpu.core_type = #tpu.core_type<sc_vector_subcore>, window_params = [{transform_indices = #map}, {transform_indices = #map1}, {transform_indices = #map1}, {transform_indices = #map}, {transform_indices = #map}]} {
    %mul3A = arith.constant 2 : i32
    %mul3A_0 = arith.muli %arg1, %mul3A : i32
    %add3A = arith.addi %mul3A_0, %arg0 : i32
    %mul3A_1 = arith.constant 64 : i32
    %mul3A_2 = arith.muli %add3A, %mul3A_1 : i32
    "tpu.region"() ({
      %run_scoped3A = tpu.sem_alloc : memref<!tpu.dma_semaphore, #tpu.memory_space<semaphore_mem>>
      %dma_start3A_13 = tpu.memref_slice %arg3[%mul3A_2] : memref<2048xi32, #tpu.memory_space<hbm>> -> memref<64xi32, #tpu.memory_space<hbm>>
      %dma_start3A_14 = tpu.memref_slice %arg3[%mul3A_2] : memref<2048xi32, #tpu.memory_space<hbm>> -> memref<64xi32, #tpu.memory_space<hbm>>
      tpu.enqueue_dma source(%dma_start3A_14 : memref<64xi32, #tpu.memory_space<hbm>>) target(%arg7 : memref<64xi32, #tpu.memory_space<vmem>>) target_semaphore(%run_scoped3A : memref<!tpu.dma_semaphore, #tpu.memory_space<semaphore_mem>>)
      %dma_wait3A_15 = tpu.memref_slice %arg3[%mul3A_2] : memref<2048xi32, #tpu.memory_space<hbm>> -> memref<64xi32, #tpu.memory_space<hbm>>
      %dma_wait3A_16 = tpu.memref_slice %arg3[%mul3A_2] : memref<2048xi32, #tpu.memory_space<hbm>> -> memref<64xi32, #tpu.memory_space<hbm>>
      tpu.wait_dma2 semaphore(%run_scoped3A : memref<!tpu.dma_semaphore, #tpu.memory_space<semaphore_mem>>) src(%dma_wait3A_16 : memref<64xi32, #tpu.memory_space<hbm>>) dst(%arg7 : memref<64xi32, #tpu.memory_space<vmem>>)
      tpu.yield
    }) : () -> ()
    %dma_start3A = arith.constant 0 : i32
    %dma_start3A_3 = arith.constant 0 : i32
    %dma_start3A_4 = tpu.memref_slice %arg2[%dma_start3A, %dma_start3A_3] : memref<8192x512xi32, #tpu.memory_space<hbm>> -> memref<8192x512xi32, #tpu.memory_space<hbm>>
    tpu.enqueue_indirect_dma source(%dma_start3A_4 : memref<8192x512xi32, #tpu.memory_space<hbm>>) target(%arg8 : memref<64x512xi32, #tpu.memory_space<vmem>>) offsets(%arg7 : memref<64xi32, #tpu.memory_space<vmem>>) semaphore(%arg9 : memref<!tpu.dma_semaphore, #tpu.memory_space<semaphore_mem>>)
    %dma_wait3A = arith.constant 0 : i32
    %dma_wait3A_5 = arith.constant 0 : i32
    %dma_wait3A_6 = tpu.memref_slice %arg2[%dma_wait3A, %dma_wait3A_5] : memref<8192x512xi32, #tpu.memory_space<hbm>> -> memref<8192x512xi32, #tpu.memory_space<hbm>>
    tpu.wait_indirect_dma semaphore(%arg9 : memref<!tpu.dma_semaphore, #tpu.memory_space<semaphore_mem>>) src(%dma_wait3A_6 : memref<8192x512xi32, #tpu.memory_space<hbm>>) dst(%arg8 : memref<64x512xi32, #tpu.memory_space<vmem>>)
    "tpu.region"() ({
      %run_scoped3A = tpu.sem_alloc : memref<!tpu.dma_semaphore, #tpu.memory_space<semaphore_mem>>
      %dma_start3A_13 = arith.constant 0 : i32
      %dma_start3A_14 = tpu.memref_slice %arg5[%mul3A_2, %dma_start3A_13] : memref<2048x512xi32, #tpu.memory_space<hbm>> -> memref<64x512xi32, #tpu.memory_space<hbm>>
      %dma_start3A_15 = arith.constant 0 : i32
      %dma_start3A_16 = tpu.memref_slice %arg5[%mul3A_2, %dma_start3A_15] : memref<2048x512xi32, #tpu.memory_space<hbm>> -> memref<64x512xi32, #tpu.memory_space<hbm>>
      tpu.enqueue_dma source(%arg8 : memref<64x512xi32, #tpu.memory_space<vmem>>) target(%dma_start3A_16 : memref<64x512xi32, #tpu.memory_space<hbm>>) target_semaphore(%run_scoped3A : memref<!tpu.dma_semaphore, #tpu.memory_space<semaphore_mem>>)
      %dma_wait3A_17 = arith.constant 0 : i32
      %dma_wait3A_18 = tpu.memref_slice %arg5[%mul3A_2, %dma_wait3A_17] : memref<2048x512xi32, #tpu.memory_space<hbm>> -> memref<64x512xi32, #tpu.memory_space<hbm>>
      %dma_wait3A_19 = arith.constant 0 : i32
      %dma_wait3A_20 = tpu.memref_slice %arg5[%mul3A_2, %dma_wait3A_19] : memref<2048x512xi32, #tpu.memory_space<hbm>> -> memref<64x512xi32, #tpu.memory_space<hbm>>
      tpu.wait_dma2 semaphore(%run_scoped3A : memref<!tpu.dma_semaphore, #tpu.memory_space<semaphore_mem>>) src(%arg8 : memref<64x512xi32, #tpu.memory_space<vmem>>) dst(%dma_wait3A_20 : memref<64x512xi32, #tpu.memory_space<hbm>>)
      tpu.yield
    }) : () -> ()
    "tpu.region"() ({
      %run_scoped3A = tpu.sem_alloc : memref<!tpu.dma_semaphore, #tpu.memory_space<semaphore_mem>>
      %dma_start3A_13 = tpu.memref_slice %arg4[%mul3A_2] : memref<2048xi32, #tpu.memory_space<hbm>> -> memref<64xi32, #tpu.memory_space<hbm>>
      %dma_start3A_14 = tpu.memref_slice %arg4[%mul3A_2] : memref<2048xi32, #tpu.memory_space<hbm>> -> memref<64xi32, #tpu.memory_space<hbm>>
      tpu.enqueue_dma source(%dma_start3A_14 : memref<64xi32, #tpu.memory_space<hbm>>) target(%arg7 : memref<64xi32, #tpu.memory_space<vmem>>) target_semaphore(%run_scoped3A : memref<!tpu.dma_semaphore, #tpu.memory_space<semaphore_mem>>)
      %dma_wait3A_15 = tpu.memref_slice %arg4[%mul3A_2] : memref<2048xi32, #tpu.memory_space<hbm>> -> memref<64xi32, #tpu.memory_space<hbm>>
      %dma_wait3A_16 = tpu.memref_slice %arg4[%mul3A_2] : memref<2048xi32, #tpu.memory_space<hbm>> -> memref<64xi32, #tpu.memory_space<hbm>>
      tpu.wait_dma2 semaphore(%run_scoped3A : memref<!tpu.dma_semaphore, #tpu.memory_space<semaphore_mem>>) src(%dma_wait3A_16 : memref<64xi32, #tpu.memory_space<hbm>>) dst(%arg7 : memref<64xi32, #tpu.memory_space<vmem>>)
      tpu.yield
    }) : () -> ()
    %dma_start3A_7 = arith.constant 0 : i32
    %dma_start3A_8 = arith.constant 0 : i32
    %dma_start3A_9 = tpu.memref_slice %arg2[%dma_start3A_7, %dma_start3A_8] : memref<8192x512xi32, #tpu.memory_space<hbm>> -> memref<8192x512xi32, #tpu.memory_space<hbm>>
    tpu.enqueue_indirect_dma source(%dma_start3A_9 : memref<8192x512xi32, #tpu.memory_space<hbm>>) target(%arg8 : memref<64x512xi32, #tpu.memory_space<vmem>>) offsets(%arg7 : memref<64xi32, #tpu.memory_space<vmem>>) semaphore(%arg9 : memref<!tpu.dma_semaphore, #tpu.memory_space<semaphore_mem>>)
    %dma_wait3A_10 = arith.constant 0 : i32
    %dma_wait3A_11 = arith.constant 0 : i32
    %dma_wait3A_12 = tpu.memref_slice %arg2[%dma_wait3A_10, %dma_wait3A_11] : memref<8192x512xi32, #tpu.memory_space<hbm>> -> memref<8192x512xi32, #tpu.memory_space<hbm>>
    tpu.wait_indirect_dma semaphore(%arg9 : memref<!tpu.dma_semaphore, #tpu.memory_space<semaphore_mem>>) src(%dma_wait3A_12 : memref<8192x512xi32, #tpu.memory_space<hbm>>) dst(%arg8 : memref<64x512xi32, #tpu.memory_space<vmem>>)
    "tpu.region"() ({
      %run_scoped3A = tpu.sem_alloc : memref<!tpu.dma_semaphore, #tpu.memory_space<semaphore_mem>>
      %dma_start3A_13 = arith.constant 0 : i32
      %dma_start3A_14 = tpu.memref_slice %arg6[%mul3A_2, %dma_start3A_13] : memref<2048x512xi32, #tpu.memory_space<hbm>> -> memref<64x512xi32, #tpu.memory_space<hbm>>
      %dma_start3A_15 = arith.constant 0 : i32
      %dma_start3A_16 = tpu.memref_slice %arg6[%mul3A_2, %dma_start3A_15] : memref<2048x512xi32, #tpu.memory_space<hbm>> -> memref<64x512xi32, #tpu.memory_space<hbm>>
      tpu.enqueue_dma source(%arg8 : memref<64x512xi32, #tpu.memory_space<vmem>>) target(%dma_start3A_16 : memref<64x512xi32, #tpu.memory_space<hbm>>) target_semaphore(%run_scoped3A : memref<!tpu.dma_semaphore, #tpu.memory_space<semaphore_mem>>)
      %dma_wait3A_17 = arith.constant 0 : i32
      %dma_wait3A_18 = tpu.memref_slice %arg6[%mul3A_2, %dma_wait3A_17] : memref<2048x512xi32, #tpu.memory_space<hbm>> -> memref<64x512xi32, #tpu.memory_space<hbm>>
      %dma_wait3A_19 = arith.constant 0 : i32
      %dma_wait3A_20 = tpu.memref_slice %arg6[%mul3A_2, %dma_wait3A_19] : memref<2048x512xi32, #tpu.memory_space<hbm>> -> memref<64x512xi32, #tpu.memory_space<hbm>>
      tpu.wait_dma2 semaphore(%run_scoped3A : memref<!tpu.dma_semaphore, #tpu.memory_space<semaphore_mem>>) src(%arg8 : memref<64x512xi32, #tpu.memory_space<vmem>>) dst(%dma_wait3A_20 : memref<64x512xi32, #tpu.memory_space<hbm>>)
      tpu.yield
    }) : () -> ()
    return
  }
}

module attributes {stable_mosaic.version = 14 : i64} {
  func.func @_shared_body(%arg0: memref<2048x512xi32, #tpu.memory_space<vmem>>, %arg1: memref<1024x1024xf32, #tpu.memory_space<vmem>>, %arg2: memref<1024x1024xf32, #tpu.memory_space<vmem>>, %arg3: memref<1024x1024xf32, #tpu.memory_space<vmem>>, %arg4: memref<2048x1024xbf16, #tpu.memory_space<vmem>>) attributes {dimension_semantics = [], scalar_prefetch = 0 : i64, scratch_operands = 0 : i64, tpu.core_type = #tpu.core_type<tc>} {
    %get3A = arith.constant 0 : index
    %get3A_0 = arith.constant 0 : index
    %get3A_1 = vector.load %arg1[%get3A, %get3A_0] : memref<1024x1024xf32, #tpu.memory_space<vmem>>, vector<1024x1024xf32>
    %convert_element_type3A = arith.truncf %get3A_1 : vector<1024x1024xf32> to vector<1024x1024xbf16>
    %get3A_2 = arith.constant 0 : index
    %get3A_3 = arith.constant 0 : index
    %get3A_4 = vector.load %arg2[%get3A_2, %get3A_3] : memref<1024x1024xf32, #tpu.memory_space<vmem>>, vector<1024x1024xf32>
    %convert_element_type3A_5 = arith.truncf %get3A_4 : vector<1024x1024xf32> to vector<1024x1024xbf16>
    %get3A_6 = arith.constant 0 : index
    %get3A_7 = arith.constant 0 : index
    %get3A_8 = vector.load %arg3[%get3A_6, %get3A_7] : memref<1024x1024xf32, #tpu.memory_space<vmem>>, vector<1024x1024xf32>
    %convert_element_type3A_9 = arith.truncf %get3A_8 : vector<1024x1024xf32> to vector<1024x1024xbf16>
    %get3A_10 = arith.constant 0 : index
    %get3A_11 = arith.constant 0 : index
    %get3A_12 = vector.load %arg0[%get3A_10, %get3A_11] : memref<2048x512xi32, #tpu.memory_space<vmem>>, vector<512x512xi32>
    %shift_left3A = arith.constant 16 : i32
    %shift_left3A_13 = vector.broadcast %shift_left3A : i32 to vector<512x512xi32>
    %shift_left3A_14 = arith.shli %get3A_12, %shift_left3A_13 : vector<512x512xi32>
    %bitcast_convert_type3A = tpu.bitcast %shift_left3A_14 : vector<512x512xi32> -> vector<512x512xf32>
    %and3A = arith.constant -65536 : i32
    %and3A_15 = vector.broadcast %and3A : i32 to vector<512x512xi32>
    %and3A_16 = arith.andi %get3A_12, %and3A_15 : vector<512x512xi32>
    %bitcast_convert_type3A_17 = tpu.bitcast %and3A_16 : vector<512x512xi32> -> vector<512x512xf32>
    %concatenate3A = tpu.concatenate %bitcast_convert_type3A, %bitcast_convert_type3A_17 in 1 : vector<512x512xf32>, vector<512x512xf32> -> vector<512x1024xf32>
    %convert_element_type3A_18 = arith.truncf %concatenate3A : vector<512x1024xf32> to vector<512x1024xbf16>
    %dot_general3A = arith.constant dense<0.000000e+00> : vector<512x1024xf32>
    %dot_general3A_19 = tpu.matmul %convert_element_type3A_18, %convert_element_type3A, %dot_general3A {dimension_numbers = #tpu.dot_dimension_numbers<[1], [0], [0], [1], [0, 0, 1, 1], [], []>, transpose_lhs_hint = false} : vector<512x1024xbf16>, vector<1024x1024xbf16>, vector<512x1024xf32> -> vector<512x1024xf32>
    %dot_general3A_20 = arith.constant dense<0.000000e+00> : vector<512x1024xf32>
    %dot_general3A_21 = tpu.matmul %convert_element_type3A_18, %convert_element_type3A_5, %dot_general3A_20 {dimension_numbers = #tpu.dot_dimension_numbers<[1], [0], [0], [1], [0, 0, 1, 1], [], []>, transpose_lhs_hint = false} : vector<512x1024xbf16>, vector<1024x1024xbf16>, vector<512x1024xf32> -> vector<512x1024xf32>
    %logistic3A = arith.negf %dot_general3A_19 : vector<512x1024xf32>
    %logistic3A_22 = math.exp %logistic3A : vector<512x1024xf32>
    %logistic3A_23 = arith.constant 1.000000e+00 : f32
    %logistic3A_24 = vector.broadcast %logistic3A_23 : f32 to vector<512x1024xf32>
    %logistic3A_25 = arith.addf %logistic3A_24, %logistic3A_22 : vector<512x1024xf32>
    %logistic3A_26 = arith.divf %logistic3A_24, %logistic3A_25 : vector<512x1024xf32>
    %mul3A = arith.mulf %dot_general3A_19, %logistic3A_26 : vector<512x1024xf32>
    %mul3A_27 = arith.mulf %mul3A, %dot_general3A_21 : vector<512x1024xf32>
    %convert_element_type3A_28 = arith.truncf %mul3A_27 : vector<512x1024xf32> to vector<512x1024xbf16>
    %dot_general3A_29 = arith.constant dense<0.000000e+00> : vector<512x1024xf32>
    %dot_general3A_30 = tpu.matmul %convert_element_type3A_28, %convert_element_type3A_9, %dot_general3A_29 {dimension_numbers = #tpu.dot_dimension_numbers<[1], [0], [0], [1], [0, 0, 1, 1], [], []>, transpose_lhs_hint = false} : vector<512x1024xbf16>, vector<1024x1024xbf16>, vector<512x1024xf32> -> vector<512x1024xf32>
    %convert_element_type3A_31 = arith.truncf %dot_general3A_30 : vector<512x1024xf32> to vector<512x1024xbf16>
    %swap3A = arith.constant 0 : index
    %swap3A_32 = arith.constant 0 : index
    %swap3A_33 = vector.load %arg4[%swap3A, %swap3A_32] : memref<2048x1024xbf16, #tpu.memory_space<vmem>>, vector<512x1024xbf16>
    tpu.vector_store %arg4[%swap3A, %swap3A_32], %convert_element_type3A_31 {strides = array<i32>} : memref<2048x1024xbf16, #tpu.memory_space<vmem>>, vector<512x1024xbf16>,
    %get3A_34 = arith.constant 512 : index
    %get3A_35 = arith.constant 0 : index
    %get3A_36 = vector.load %arg0[%get3A_34, %get3A_35] : memref<2048x512xi32, #tpu.memory_space<vmem>>, vector<512x512xi32>
    %shift_left3A_37 = arith.constant 16 : i32
    %shift_left3A_38 = vector.broadcast %shift_left3A_37 : i32 to vector<512x512xi32>
    %shift_left3A_39 = arith.shli %get3A_36, %shift_left3A_38 : vector<512x512xi32>
    %bitcast_convert_type3A_40 = tpu.bitcast %shift_left3A_39 : vector<512x512xi32> -> vector<512x512xf32>
    %and3A_41 = arith.constant -65536 : i32
    %and3A_42 = vector.broadcast %and3A_41 : i32 to vector<512x512xi32>
    %and3A_43 = arith.andi %get3A_36, %and3A_42 : vector<512x512xi32>
    %bitcast_convert_type3A_44 = tpu.bitcast %and3A_43 : vector<512x512xi32> -> vector<512x512xf32>
    %concatenate3A_45 = tpu.concatenate %bitcast_convert_type3A_40, %bitcast_convert_type3A_44 in 1 : vector<512x512xf32>, vector<512x512xf32> -> vector<512x1024xf32>
    %convert_element_type3A_46 = arith.truncf %concatenate3A_45 : vector<512x1024xf32> to vector<512x1024xbf16>
    %dot_general3A_47 = arith.constant dense<0.000000e+00> : vector<512x1024xf32>
    %dot_general3A_48 = tpu.matmul %convert_element_type3A_46, %convert_element_type3A, %dot_general3A_47 {dimension_numbers = #tpu.dot_dimension_numbers<[1], [0], [0], [1], [0, 0, 1, 1], [], []>, transpose_lhs_hint = false} : vector<512x1024xbf16>, vector<1024x1024xbf16>, vector<512x1024xf32> -> vector<512x1024xf32>
    %dot_general3A_49 = arith.constant dense<0.000000e+00> : vector<512x1024xf32>
    %dot_general3A_50 = tpu.matmul %convert_element_type3A_46, %convert_element_type3A_5, %dot_general3A_49 {dimension_numbers = #tpu.dot_dimension_numbers<[1], [0], [0], [1], [0, 0, 1, 1], [], []>, transpose_lhs_hint = false} : vector<512x1024xbf16>, vector<1024x1024xbf16>, vector<512x1024xf32> -> vector<512x1024xf32>
    %logistic3A_51 = arith.negf %dot_general3A_48 : vector<512x1024xf32>
    %logistic3A_52 = math.exp %logistic3A_51 : vector<512x1024xf32>
    %logistic3A_53 = arith.constant 1.000000e+00 : f32
    %logistic3A_54 = vector.broadcast %logistic3A_53 : f32 to vector<512x1024xf32>
    %logistic3A_55 = arith.addf %logistic3A_54, %logistic3A_52 : vector<512x1024xf32>
    %logistic3A_56 = arith.divf %logistic3A_54, %logistic3A_55 : vector<512x1024xf32>
    %mul3A_57 = arith.mulf %dot_general3A_48, %logistic3A_56 : vector<512x1024xf32>
    %mul3A_58 = arith.mulf %mul3A_57, %dot_general3A_50 : vector<512x1024xf32>
    %convert_element_type3A_59 = arith.truncf %mul3A_58 : vector<512x1024xf32> to vector<512x1024xbf16>
    %dot_general3A_60 = arith.constant dense<0.000000e+00> : vector<512x1024xf32>
    %dot_general3A_61 = tpu.matmul %convert_element_type3A_59, %convert_element_type3A_9, %dot_general3A_60 {dimension_numbers = #tpu.dot_dimension_numbers<[1], [0], [0], [1], [0, 0, 1, 1], [], []>, transpose_lhs_hint = false} : vector<512x1024xbf16>, vector<1024x1024xbf16>, vector<512x1024xf32> -> vector<512x1024xf32>
    %convert_element_type3A_62 = arith.truncf %dot_general3A_61 : vector<512x1024xf32> to vector<512x1024xbf16>
    %swap3A_63 = arith.constant 512 : index
    %swap3A_64 = arith.constant 0 : index
    %swap3A_65 = vector.load %arg4[%swap3A_63, %swap3A_64] : memref<2048x1024xbf16, #tpu.memory_space<vmem>>, vector<512x1024xbf16>
    tpu.vector_store %arg4[%swap3A_63, %swap3A_64], %convert_element_type3A_62 {strides = array<i32>} : memref<2048x1024xbf16, #tpu.memory_space<vmem>>, vector<512x1024xbf16>,
    %get3A_66 = arith.constant 1024 : index
    %get3A_67 = arith.constant 0 : index
    %get3A_68 = vector.load %arg0[%get3A_66, %get3A_67] : memref<2048x512xi32, #tpu.memory_space<vmem>>, vector<512x512xi32>
    %shift_left3A_69 = arith.constant 16 : i32
    %shift_left3A_70 = vector.broadcast %shift_left3A_69 : i32 to vector<512x512xi32>
    %shift_left3A_71 = arith.shli %get3A_68, %shift_left3A_70 : vector<512x512xi32>
    %bitcast_convert_type3A_72 = tpu.bitcast %shift_left3A_71 : vector<512x512xi32> -> vector<512x512xf32>
    %and3A_73 = arith.constant -65536 : i32
    %and3A_74 = vector.broadcast %and3A_73 : i32 to vector<512x512xi32>
    %and3A_75 = arith.andi %get3A_68, %and3A_74 : vector<512x512xi32>
    %bitcast_convert_type3A_76 = tpu.bitcast %and3A_75 : vector<512x512xi32> -> vector<512x512xf32>
    %concatenate3A_77 = tpu.concatenate %bitcast_convert_type3A_72, %bitcast_convert_type3A_76 in 1 : vector<512x512xf32>, vector<512x512xf32> -> vector<512x1024xf32>
    %convert_element_type3A_78 = arith.truncf %concatenate3A_77 : vector<512x1024xf32> to vector<512x1024xbf16>
    %dot_general3A_79 = arith.constant dense<0.000000e+00> : vector<512x1024xf32>
    %dot_general3A_80 = tpu.matmul %convert_element_type3A_78, %convert_element_type3A, %dot_general3A_79 {dimension_numbers = #tpu.dot_dimension_numbers<[1], [0], [0], [1], [0, 0, 1, 1], [], []>, transpose_lhs_hint = false} : vector<512x1024xbf16>, vector<1024x1024xbf16>, vector<512x1024xf32> -> vector<512x1024xf32>
    %dot_general3A_81 = arith.constant dense<0.000000e+00> : vector<512x1024xf32>
    %dot_general3A_82 = tpu.matmul %convert_element_type3A_78, %convert_element_type3A_5, %dot_general3A_81 {dimension_numbers = #tpu.dot_dimension_numbers<[1], [0], [0], [1], [0, 0, 1, 1], [], []>, transpose_lhs_hint = false} : vector<512x1024xbf16>, vector<1024x1024xbf16>, vector<512x1024xf32> -> vector<512x1024xf32>
    %logistic3A_83 = arith.negf %dot_general3A_80 : vector<512x1024xf32>
    %logistic3A_84 = math.exp %logistic3A_83 : vector<512x1024xf32>
    %logistic3A_85 = arith.constant 1.000000e+00 : f32
    %logistic3A_86 = vector.broadcast %logistic3A_85 : f32 to vector<512x1024xf32>
    %logistic3A_87 = arith.addf %logistic3A_86, %logistic3A_84 : vector<512x1024xf32>
    %logistic3A_88 = arith.divf %logistic3A_86, %logistic3A_87 : vector<512x1024xf32>
    %mul3A_89 = arith.mulf %dot_general3A_80, %logistic3A_88 : vector<512x1024xf32>
    %mul3A_90 = arith.mulf %mul3A_89, %dot_general3A_82 : vector<512x1024xf32>
    %convert_element_type3A_91 = arith.truncf %mul3A_90 : vector<512x1024xf32> to vector<512x1024xbf16>
    %dot_general3A_92 = arith.constant dense<0.000000e+00> : vector<512x1024xf32>
    %dot_general3A_93 = tpu.matmul %convert_element_type3A_91, %convert_element_type3A_9, %dot_general3A_92 {dimension_numbers = #tpu.dot_dimension_numbers<[1], [0], [0], [1], [0, 0, 1, 1], [], []>, transpose_lhs_hint = false} : vector<512x1024xbf16>, vector<1024x1024xbf16>, vector<512x1024xf32> -> vector<512x1024xf32>
    %convert_element_type3A_94 = arith.truncf %dot_general3A_93 : vector<512x1024xf32> to vector<512x1024xbf16>
    %swap3A_95 = arith.constant 1024 : index
    %swap3A_96 = arith.constant 0 : index
    %swap3A_97 = vector.load %arg4[%swap3A_95, %swap3A_96] : memref<2048x1024xbf16, #tpu.memory_space<vmem>>, vector<512x1024xbf16>
    tpu.vector_store %arg4[%swap3A_95, %swap3A_96], %convert_element_type3A_94 {strides = array<i32>} : memref<2048x1024xbf16, #tpu.memory_space<vmem>>, vector<512x1024xbf16>,
    %get3A_98 = arith.constant 1536 : index
    %get3A_99 = arith.constant 0 : index
    %get3A_100 = vector.load %arg0[%get3A_98, %get3A_99] : memref<2048x512xi32, #tpu.memory_space<vmem>>, vector<512x512xi32>
    %shift_left3A_101 = arith.constant 16 : i32
    %shift_left3A_102 = vector.broadcast %shift_left3A_101 : i32 to vector<512x512xi32>
    %shift_left3A_103 = arith.shli %get3A_100, %shift_left3A_102 : vector<512x512xi32>
    %bitcast_convert_type3A_104 = tpu.bitcast %shift_left3A_103 : vector<512x512xi32> -> vector<512x512xf32>
    %and3A_105 = arith.constant -65536 : i32
    %and3A_106 = vector.broadcast %and3A_105 : i32 to vector<512x512xi32>
    %and3A_107 = arith.andi %get3A_100, %and3A_106 : vector<512x512xi32>
    %bitcast_convert_type3A_108 = tpu.bitcast %and3A_107 : vector<512x512xi32> -> vector<512x512xf32>
    %concatenate3A_109 = tpu.concatenate %bitcast_convert_type3A_104, %bitcast_convert_type3A_108 in 1 : vector<512x512xf32>, vector<512x512xf32> -> vector<512x1024xf32>
    %convert_element_type3A_110 = arith.truncf %concatenate3A_109 : vector<512x1024xf32> to vector<512x1024xbf16>
    %dot_general3A_111 = arith.constant dense<0.000000e+00> : vector<512x1024xf32>
    %dot_general3A_112 = tpu.matmul %convert_element_type3A_110, %convert_element_type3A, %dot_general3A_111 {dimension_numbers = #tpu.dot_dimension_numbers<[1], [0], [0], [1], [0, 0, 1, 1], [], []>, transpose_lhs_hint = false} : vector<512x1024xbf16>, vector<1024x1024xbf16>, vector<512x1024xf32> -> vector<512x1024xf32>
    %dot_general3A_113 = arith.constant dense<0.000000e+00> : vector<512x1024xf32>
    %dot_general3A_114 = tpu.matmul %convert_element_type3A_110, %convert_element_type3A_5, %dot_general3A_113 {dimension_numbers = #tpu.dot_dimension_numbers<[1], [0], [0], [1], [0, 0, 1, 1], [], []>, transpose_lhs_hint = false} : vector<512x1024xbf16>, vector<1024x1024xbf16>, vector<512x1024xf32> -> vector<512x1024xf32>
    %logistic3A_115 = arith.negf %dot_general3A_112 : vector<512x1024xf32>
    %logistic3A_116 = math.exp %logistic3A_115 : vector<512x1024xf32>
    %logistic3A_117 = arith.constant 1.000000e+00 : f32
    %logistic3A_118 = vector.broadcast %logistic3A_117 : f32 to vector<512x1024xf32>
    %logistic3A_119 = arith.addf %logistic3A_118, %logistic3A_116 : vector<512x1024xf32>
    %logistic3A_120 = arith.divf %logistic3A_118, %logistic3A_119 : vector<512x1024xf32>
    %mul3A_121 = arith.mulf %dot_general3A_112, %logistic3A_120 : vector<512x1024xf32>
    %mul3A_122 = arith.mulf %mul3A_121, %dot_general3A_114 : vector<512x1024xf32>
    %convert_element_type3A_123 = arith.truncf %mul3A_122 : vector<512x1024xf32> to vector<512x1024xbf16>
    %dot_general3A_124 = arith.constant dense<0.000000e+00> : vector<512x1024xf32>
    %dot_general3A_125 = tpu.matmul %convert_element_type3A_123, %convert_element_type3A_9, %dot_general3A_124 {dimension_numbers = #tpu.dot_dimension_numbers<[1], [0], [0], [1], [0, 0, 1, 1], [], []>, transpose_lhs_hint = false} : vector<512x1024xbf16>, vector<1024x1024xbf16>, vector<512x1024xf32> -> vector<512x1024xf32>
    %convert_element_type3A_126 = arith.truncf %dot_general3A_125 : vector<512x1024xf32> to vector<512x1024xbf16>
    %swap3A_127 = arith.constant 1536 : index
    %swap3A_128 = arith.constant 0 : index
    %swap3A_129 = vector.load %arg4[%swap3A_127, %swap3A_128] : memref<2048x1024xbf16, #tpu.memory_space<vmem>>, vector<512x1024xbf16>
    tpu.vector_store %arg4[%swap3A_127, %swap3A_128], %convert_element_type3A_126 {strides = array<i32>} : memref<2048x1024xbf16, #tpu.memory_space<vmem>>, vector<512x1024xbf16>,
    return
  }
}

module attributes {stable_mosaic.version = 14 : i64} {
  func.func @_router_body(%arg0: i32, %arg1: memref<256x1024xf32, #tpu.memory_space<vmem>>, %arg2: memref<1x1024xf32, #tpu.memory_space<vmem>>, %arg3: memref<8x1024xf32, #tpu.memory_space<vmem>>, %arg4: memref<256x512xi32, #tpu.memory_space<vmem>>, %arg5: memref<256x1xf32, #tpu.memory_space<vmem>>, %arg6: memref<256x1xf32, #tpu.memory_space<vmem>>, %arg7: memref<256x1xi32, #tpu.memory_space<vmem>>, %arg8: memref<256x1xi32, #tpu.memory_space<vmem>>, %arg9: memref<256x1xi32, #tpu.memory_space<vmem>>, %arg10: memref<256x1xi32, #tpu.memory_space<vmem>>, %arg11: memref<1x8xi32, #tpu.memory_space<vmem>>, %arg12: memref<1x8xf32, #tpu.memory_space<vmem>>) attributes {dimension_semantics = [#tpu.dimension_semantics<arbitrary>], iteration_bounds = array<i64: 8>, scalar_prefetch = 0 : i64, scratch_operands = 1 : i64, tpu.core_type = #tpu.core_type<tc>, window_params = [{transform_indices = @transform_0, window_bounds = array<i64: 256, 1024>}, {pipeline_mode = #tpu.pipeline_mode<synchronous>, transform_indices = @transform_1, window_bounds = array<i64: 1, 1024>}, {pipeline_mode = #tpu.pipeline_mode<synchronous>, transform_indices = @transform_2, window_bounds = array<i64: 8, 1024>}, {transform_indices = @transform_3, window_bounds = array<i64: 256, 512>}, {transform_indices = @transform_4, window_bounds = array<i64: 256, 1>}, {transform_indices = @transform_5, window_bounds = array<i64: 256, 1>}, {transform_indices = @transform_6, window_bounds = array<i64: 256, 1>}, {transform_indices = @transform_7, window_bounds = array<i64: 256, 1>}, {transform_indices = @transform_8, window_bounds = array<i64: 256, 1>}, {transform_indices = @transform_9, window_bounds = array<i64: 256, 1>}, {pipeline_mode = #tpu.pipeline_mode<synchronous>, transform_indices = @transform_10, window_bounds = array<i64: 1, 8>}]} {
    %eq3A = arith.constant 0 : i32
    %eq3A_0 = arith.cmpi eq, %arg0, %eq3A : i32
    %convert_element_type3A = arith.extui %eq3A_0 : i1 to i32
    %cond3A = arith.constant 0 : i32
    %cond3A_1 = arith.cmpi ne, %convert_element_type3A, %cond3A : i32
    scf.if %cond3A_1 {
      %broadcast_in_dim3A_184 = arith.constant 0.000000e+00 : f32
      %broadcast_in_dim3A_185 = vector.broadcast %broadcast_in_dim3A_184 : f32 to vector<1x8xf32>
      %swap3A_186 = arith.constant 0 : index
      %swap3A_187 = arith.constant 0 : index
      %swap3A_188 = vector.load %arg12[%swap3A_186, %swap3A_187] : memref<1x8xf32, #tpu.memory_space<vmem>>, vector<1x8xf32>
      tpu.vector_store %arg12[%swap3A_186, %swap3A_187], %broadcast_in_dim3A_185 {strides = array<i32>} : memref<1x8xf32, #tpu.memory_space<vmem>>, vector<1x8xf32>,
    } else {
    }
    %get3A = arith.constant 0 : index
    %get3A_2 = arith.constant 0 : index
    %get3A_3 = vector.load %arg1[%get3A, %get3A_2] : memref<256x1024xf32, #tpu.memory_space<vmem>>, vector<256x1024xf32>
    %mul3A = arith.mulf %get3A_3, %get3A_3 : vector<256x1024xf32>
    %reduce_sum3A = arith.constant dense<0.000000e+00> : vector<256xf32>
    %reduce_sum3A_4 = vector.multi_reduction <add>, %mul3A, %reduce_sum3A [1] : vector<256x1024xf32> to vector<256xf32>
    %broadcast_in_dim3A = vector.shape_cast %reduce_sum3A_4 : vector<256xf32> to vector<256x1xf32>
    %div3A = arith.constant 1.024000e+03 : f32
    %div3A_5 = vector.broadcast %div3A : f32 to vector<256x1xf32>
    %div3A_6 = arith.divf %broadcast_in_dim3A, %div3A_5 : vector<256x1xf32>
    %add3A = arith.constant 9.99999997E-7 : f32
    %add3A_7 = vector.broadcast %add3A : f32 to vector<256x1xf32>
    %add3A_8 = arith.addf %div3A_6, %add3A_7 : vector<256x1xf32>
    %rsqrt3A = math.rsqrt %add3A_8 : vector<256x1xf32>
    %mul3A_9 = vector.broadcast %rsqrt3A : vector<256x1xf32> to vector<256x1024xf32>
    %mul3A_10 = arith.mulf %get3A_3, %mul3A_9 : vector<256x1024xf32>
    %get3A_11 = arith.constant 0 : index
    %get3A_12 = arith.constant 0 : index
    %get3A_13 = vector.load %arg2[%get3A_11, %get3A_12] : memref<1x1024xf32, #tpu.memory_space<vmem>>, vector<1x1024xf32>
    %mul3A_14 = vector.broadcast %get3A_13 : vector<1x1024xf32> to vector<256x1024xf32>
    %mul3A_15 = arith.mulf %mul3A_10, %mul3A_14 : vector<256x1024xf32>
    %slice3A = vector.extract_strided_slice %mul3A_15 {offsets = [0, 0], sizes = [256, 512], strides = [1, 1]} : vector<256x1024xf32> to vector<256x512xf32>
    %convert_element_type3A_16 = arith.truncf %slice3A : vector<256x512xf32> to vector<256x512xbf16>
    %convert_element_type3A_17 = arith.extf %convert_element_type3A_16 : vector<256x512xbf16> to vector<256x512xf32>
    %slice3A_18 = vector.extract_strided_slice %mul3A_15 {offsets = [0, 512], sizes = [256, 512], strides = [1, 1]} : vector<256x1024xf32> to vector<256x512xf32>
    %convert_element_type3A_19 = arith.truncf %slice3A_18 : vector<256x512xf32> to vector<256x512xbf16>
    %convert_element_type3A_20 = arith.extf %convert_element_type3A_19 : vector<256x512xbf16> to vector<256x512xf32>
    %bitcast_convert_type3A = tpu.bitcast %convert_element_type3A_17 : vector<256x512xf32> -> vector<256x512xi32>
    %shift_right_logical3A = arith.constant 16 : i32
    %shift_right_logical3A_21 = vector.broadcast %shift_right_logical3A : i32 to vector<256x512xi32>
    %shift_right_logical3A_22 = arith.shrui %bitcast_convert_type3A, %shift_right_logical3A_21 : vector<256x512xi32>
    %bitcast_convert_type3A_23 = tpu.bitcast %convert_element_type3A_20 : vector<256x512xf32> -> vector<256x512xi32>
    %and3A = arith.constant -65536 : i32
    %and3A_24 = vector.broadcast %and3A : i32 to vector<256x512xi32>
    %and3A_25 = arith.andi %bitcast_convert_type3A_23, %and3A_24 : vector<256x512xi32>
    %or3A = arith.ori %shift_right_logical3A_22, %and3A_25 : vector<256x512xi32>
    %swap3A = arith.constant 0 : index
    %swap3A_26 = arith.constant 0 : index
    %swap3A_27 = vector.load %arg4[%swap3A, %swap3A_26] : memref<256x512xi32, #tpu.memory_space<vmem>>, vector<256x512xi32>
    tpu.vector_store %arg4[%swap3A, %swap3A_26], %or3A {strides = array<i32>} : memref<256x512xi32, #tpu.memory_space<vmem>>, vector<256x512xi32>,
    %get3A_28 = arith.constant 0 : index
    %get3A_29 = arith.constant 0 : index
    %get3A_30 = vector.load %arg3[%get3A_28, %get3A_29] : memref<8x1024xf32, #tpu.memory_space<vmem>>, vector<8x1024xf32>
    %dot_general3A = arith.constant dense<0.000000e+00> : vector<256x8xf32>
    %dot_general3A_31 = tpu.matmul %mul3A_15, %get3A_30, %dot_general3A {dimension_numbers = #tpu.dot_dimension_numbers<[1], [1], [0], [0], [0, 0, 1, 0], [], []>, transpose_lhs_hint = false} : vector<256x1024xf32>, vector<8x1024xf32>, vector<256x8xf32> -> vector<256x8xf32>
    %reduce_max3A = arith.constant dense<0xFF800000> : vector<256xf32>
    %reduce_max3A_32 = vector.multi_reduction <maximumf>, %dot_general3A_31, %reduce_max3A [1] : vector<256x8xf32> to vector<256xf32>
    %broadcast_in_dim3A_33 = vector.shape_cast %reduce_max3A_32 : vector<256xf32> to vector<256x1xf32>
    %sub3A = vector.broadcast %broadcast_in_dim3A_33 : vector<256x1xf32> to vector<256x8xf32>
    %sub3A_34 = arith.subf %dot_general3A_31, %sub3A : vector<256x8xf32>
    %exp3A = math.exp %sub3A_34 : vector<256x8xf32>
    %reduce_sum3A_35 = arith.constant dense<0.000000e+00> : vector<256xf32>
    %reduce_sum3A_36 = vector.multi_reduction <add>, %exp3A, %reduce_sum3A_35 [1] : vector<256x8xf32> to vector<256xf32>
    %broadcast_in_dim3A_37 = vector.shape_cast %reduce_sum3A_36 : vector<256xf32> to vector<256x1xf32>
    %div3A_38 = vector.broadcast %broadcast_in_dim3A_37 : vector<256x1xf32> to vector<256x8xf32>
    %div3A_39 = arith.divf %exp3A, %div3A_38 : vector<256x8xf32>
    %iota3A = tpu.iota {dimensions = array<i32: 1>} : vector<256x8xi32>
    %reduce_max3A_40 = arith.constant dense<0xFF800000> : vector<256xf32>
    %reduce_max3A_41 = vector.multi_reduction <maximumf>, %div3A_39, %reduce_max3A_40 [1] : vector<256x8xf32> to vector<256xf32>
    %broadcast_in_dim3A_42 = vector.shape_cast %reduce_max3A_41 : vector<256xf32> to vector<256x1xf32>
    %eq3A_43 = vector.broadcast %broadcast_in_dim3A_42 : vector<256x1xf32> to vector<256x8xf32>
    %eq3A_44 = arith.cmpf oeq, %div3A_39, %eq3A_43 : vector<256x8xf32>
    %jit3A = arith.constant 8 : i32
    %broadcast_in_dim3A_45 = vector.broadcast %jit3A : i32 to vector<256x8xi32>
    %select_n3A = arith.select %eq3A_44, %iota3A, %broadcast_in_dim3A_45 : vector<256x8xi1>, vector<256x8xi32>
    %reduce_min3A = arith.constant dense<2147483647> : vector<256xi32>
    %reduce_min3A_46 = vector.multi_reduction <minsi>, %select_n3A, %reduce_min3A [1] : vector<256x8xi32> to vector<256xi32>
    %broadcast_in_dim3A_47 = vector.shape_cast %reduce_min3A_46 : vector<256xi32> to vector<256x1xi32>
    %eq3A_48 = vector.broadcast %broadcast_in_dim3A_47 : vector<256x1xi32> to vector<256x8xi32>
    %eq3A_49 = arith.cmpi eq, %iota3A, %eq3A_48 : vector<256x8xi32>
    %jit3A_50 = arith.constant -1.000000e+00 : f32
    %broadcast_in_dim3A_51 = vector.broadcast %jit3A_50 : f32 to vector<256x8xf32>
    %select_n3A_52 = arith.select %eq3A_49, %broadcast_in_dim3A_51, %div3A_39 : vector<256x8xi1>, vector<256x8xf32>
    %reduce_max3A_53 = arith.constant dense<0xFF800000> : vector<256xf32>
    %reduce_max3A_54 = vector.multi_reduction <maximumf>, %select_n3A_52, %reduce_max3A_53 [1] : vector<256x8xf32> to vector<256xf32>
    %broadcast_in_dim3A_55 = vector.shape_cast %reduce_max3A_54 : vector<256xf32> to vector<256x1xf32>
    %eq3A_56 = vector.broadcast %broadcast_in_dim3A_55 : vector<256x1xf32> to vector<256x8xf32>
    %eq3A_57 = arith.cmpf oeq, %select_n3A_52, %eq3A_56 : vector<256x8xf32>
    %jit3A_58 = arith.constant 8 : i32
    %broadcast_in_dim3A_59 = vector.broadcast %jit3A_58 : i32 to vector<256x8xi32>
    %select_n3A_60 = arith.select %eq3A_57, %iota3A, %broadcast_in_dim3A_59 : vector<256x8xi1>, vector<256x8xi32>
    %reduce_min3A_61 = arith.constant dense<2147483647> : vector<256xi32>
    %reduce_min3A_62 = vector.multi_reduction <minsi>, %select_n3A_60, %reduce_min3A_61 [1] : vector<256x8xi32> to vector<256xi32>
    %broadcast_in_dim3A_63 = vector.shape_cast %reduce_min3A_62 : vector<256xi32> to vector<256x1xi32>
    %eq3A_64 = vector.broadcast %broadcast_in_dim3A_63 : vector<256x1xi32> to vector<256x8xi32>
    %eq3A_65 = arith.cmpi eq, %iota3A, %eq3A_64 : vector<256x8xi32>
    %jit3A_66 = arith.constant 0.000000e+00 : f32
    %broadcast_in_dim3A_67 = vector.broadcast %jit3A_66 : f32 to vector<256x8xf32>
    %select_n3A_68 = arith.select %eq3A_49, %div3A_39, %broadcast_in_dim3A_67 : vector<256x8xi1>, vector<256x8xf32>
    %reduce_sum3A_69 = arith.constant dense<0.000000e+00> : vector<256xf32>
    %reduce_sum3A_70 = vector.multi_reduction <add>, %select_n3A_68, %reduce_sum3A_69 [1] : vector<256x8xf32> to vector<256xf32>
    %broadcast_in_dim3A_71 = vector.shape_cast %reduce_sum3A_70 : vector<256xf32> to vector<256x1xf32>
    %jit3A_72 = arith.constant 0.000000e+00 : f32
    %broadcast_in_dim3A_73 = vector.broadcast %jit3A_72 : f32 to vector<256x8xf32>
    %select_n3A_74 = arith.select %eq3A_65, %div3A_39, %broadcast_in_dim3A_73 : vector<256x8xi1>, vector<256x8xf32>
    %reduce_sum3A_75 = arith.constant dense<0.000000e+00> : vector<256xf32>
    %reduce_sum3A_76 = vector.multi_reduction <add>, %select_n3A_74, %reduce_sum3A_75 [1] : vector<256x8xf32> to vector<256xf32>
    %broadcast_in_dim3A_77 = vector.shape_cast %reduce_sum3A_76 : vector<256xf32> to vector<256x1xf32>
    %add3A_78 = arith.addf %broadcast_in_dim3A_71, %broadcast_in_dim3A_77 : vector<256x1xf32>
    %add3A_79 = arith.constant 9.99999968E-21 : f32
    %add3A_80 = vector.broadcast %add3A_79 : f32 to vector<256x1xf32>
    %add3A_81 = arith.addf %add3A_78, %add3A_80 : vector<256x1xf32>
    %div3A_82 = arith.divf %broadcast_in_dim3A_71, %add3A_81 : vector<256x1xf32>
    %div3A_83 = arith.divf %broadcast_in_dim3A_77, %add3A_81 : vector<256x1xf32>
    %convert_element_type3A_84 = arith.extui %eq3A_49 : vector<256x8xi1> to vector<256x8xi32>
    %convert_element_type3A_85 = arith.sitofp %convert_element_type3A_84 : vector<256x8xi32> to vector<256x8xf32>
    %convert_element_type3A_86 = arith.extui %eq3A_65 : vector<256x8xi1> to vector<256x8xi32>
    %convert_element_type3A_87 = arith.sitofp %convert_element_type3A_86 : vector<256x8xi32> to vector<256x8xf32>
    %iota3A_88 = tpu.iota {dimensions = array<i32: 0>} : vector<256x256xi32>
    %iota3A_89 = tpu.iota {dimensions = array<i32: 1>} : vector<256x256xi32>
    %le3A = arith.cmpi sle, %iota3A_89, %iota3A_88 : vector<256x256xi32>
    %convert_element_type3A_90 = arith.extui %le3A : vector<256x256xi1> to vector<256x256xi32>
    %convert_element_type3A_91 = arith.sitofp %convert_element_type3A_90 : vector<256x256xi32> to vector<256x256xf32>
    %dot_general3A_92 = arith.constant dense<0.000000e+00> : vector<256x8xf32>
    %dot_general3A_93 = tpu.matmul %convert_element_type3A_91, %convert_element_type3A_85, %dot_general3A_92 {dimension_numbers = #tpu.dot_dimension_numbers<[1], [0], [0], [1], [0, 0, 1, 1], [], []>, transpose_lhs_hint = false} : vector<256x256xf32>, vector<256x8xf32>, vector<256x8xf32> -> vector<256x8xf32>
    %dot_general3A_94 = arith.constant dense<0.000000e+00> : vector<256x8xf32>
    %dot_general3A_95 = tpu.matmul %convert_element_type3A_91, %convert_element_type3A_87, %dot_general3A_94 {dimension_numbers = #tpu.dot_dimension_numbers<[1], [0], [0], [1], [0, 0, 1, 1], [], []>, transpose_lhs_hint = false} : vector<256x256xf32>, vector<256x8xf32>, vector<256x8xf32> -> vector<256x8xf32>
    %get3A_96 = arith.constant 0 : index
    %get3A_97 = arith.constant 0 : index
    %get3A_98 = vector.load %arg12[%get3A_96, %get3A_97] : memref<1x8xf32, #tpu.memory_space<vmem>>, vector<1x8xf32>
    %add3A_99 = vector.broadcast %get3A_98 : vector<1x8xf32> to vector<256x8xf32>
    %add3A_100 = arith.addf %add3A_99, %dot_general3A_93 : vector<256x8xf32>
    %add3A_101 = arith.addf %add3A_100, %dot_general3A_95 : vector<256x8xf32>
    %sub3A_102 = arith.subf %add3A_101, %convert_element_type3A_85 : vector<256x8xf32>
    %sub3A_103 = arith.subf %sub3A_102, %convert_element_type3A_87 : vector<256x8xf32>
    %jit3A_104 = arith.constant 0.000000e+00 : f32
    %broadcast_in_dim3A_105 = vector.broadcast %jit3A_104 : f32 to vector<256x8xf32>
    %select_n3A_106 = arith.select %eq3A_49, %sub3A_103, %broadcast_in_dim3A_105 : vector<256x8xi1>, vector<256x8xf32>
    %reduce_sum3A_107 = arith.constant dense<0.000000e+00> : vector<256xf32>
    %reduce_sum3A_108 = vector.multi_reduction <add>, %select_n3A_106, %reduce_sum3A_107 [1] : vector<256x8xf32> to vector<256xf32>
    %broadcast_in_dim3A_109 = vector.shape_cast %reduce_sum3A_108 : vector<256xf32> to vector<256x1xf32>
    %convert_element_type3A_110 = arith.fptosi %broadcast_in_dim3A_109 : vector<256x1xf32> to vector<256x1xi32>
    %jit3A_111 = arith.constant 0.000000e+00 : f32
    %broadcast_in_dim3A_112 = vector.broadcast %jit3A_111 : f32 to vector<256x8xf32>
    %select_n3A_113 = arith.select %eq3A_65, %sub3A_103, %broadcast_in_dim3A_112 : vector<256x8xi1>, vector<256x8xf32>
    %reduce_sum3A_114 = arith.constant dense<0.000000e+00> : vector<256xf32>
    %reduce_sum3A_115 = vector.multi_reduction <add>, %select_n3A_113, %reduce_sum3A_114 [1] : vector<256x8xf32> to vector<256xf32>
    %broadcast_in_dim3A_116 = vector.shape_cast %reduce_sum3A_115 : vector<256xf32> to vector<256x1xf32>
    %convert_element_type3A_117 = arith.fptosi %broadcast_in_dim3A_116 : vector<256x1xf32> to vector<256x1xi32>
    %get3A_118 = arith.constant 0 : index
    %get3A_119 = arith.constant 0 : index
    %get3A_120 = vector.load %arg12[%get3A_118, %get3A_119] : memref<1x8xf32, #tpu.memory_space<vmem>>, vector<1x8xf32>
    %add3A_121 = arith.addf %convert_element_type3A_85, %convert_element_type3A_87 : vector<256x8xf32>
    %reduce_sum3A_122 = arith.constant dense<0.000000e+00> : vector<8xf32>
    %reduce_sum3A_123 = vector.multi_reduction <add>, %add3A_121, %reduce_sum3A_122 [0] : vector<256x8xf32> to vector<8xf32>
    %broadcast_in_dim3A_124 = vector.shape_cast %reduce_sum3A_123 : vector<8xf32> to vector<1x8xf32>
    %add3A_125 = arith.addf %get3A_120, %broadcast_in_dim3A_124 : vector<1x8xf32>
    %swap3A_126 = arith.constant 0 : index
    %swap3A_127 = arith.constant 0 : index
    %swap3A_128 = vector.load %arg12[%swap3A_126, %swap3A_127] : memref<1x8xf32, #tpu.memory_space<vmem>>, vector<1x8xf32>
    tpu.vector_store %arg12[%swap3A_126, %swap3A_127], %add3A_125 {strides = array<i32>} : memref<1x8xf32, #tpu.memory_space<vmem>>, vector<1x8xf32>,
    %convert_element_type3A_129 = arith.fptosi %add3A_125 : vector<1x8xf32> to vector<1x8xi32>
    %swap3A_130 = arith.constant 0 : index
    %swap3A_131 = arith.constant 0 : index
    %swap3A_132 = vector.load %arg11[%swap3A_130, %swap3A_131] : memref<1x8xi32, #tpu.memory_space<vmem>>, vector<1x8xi32>
    tpu.vector_store %arg11[%swap3A_130, %swap3A_131], %convert_element_type3A_129 {strides = array<i32>} : memref<1x8xi32, #tpu.memory_space<vmem>>, vector<1x8xi32>,
    %mul3A_133 = arith.constant 1024 : i32
    %mul3A_134 = vector.broadcast %mul3A_133 : i32 to vector<256x1xi32>
    %mul3A_135 = arith.muli %broadcast_in_dim3A_47, %mul3A_134 : vector<256x1xi32>
    %add3A_136 = arith.addi %mul3A_135, %convert_element_type3A_110 : vector<256x1xi32>
    %mul3A_137 = arith.constant 1024 : i32
    %mul3A_138 = vector.broadcast %mul3A_137 : i32 to vector<256x1xi32>
    %mul3A_139 = arith.muli %broadcast_in_dim3A_63, %mul3A_138 : vector<256x1xi32>
    %add3A_140 = arith.addi %mul3A_139, %convert_element_type3A_117 : vector<256x1xi32>
    %lt3A = arith.constant 1024 : i32
    %lt3A_141 = vector.broadcast %lt3A : i32 to vector<256x1xi32>
    %lt3A_142 = arith.cmpi slt, %convert_element_type3A_110, %lt3A_141 : vector<256x1xi32>
    %lt3A_143 = arith.constant 1024 : i32
    %lt3A_144 = vector.broadcast %lt3A_143 : i32 to vector<256x1xi32>
    %lt3A_145 = arith.cmpi slt, %convert_element_type3A_117, %lt3A_144 : vector<256x1xi32>
    %mul3A_146 = arith.constant 1024 : i32
    %mul3A_147 = vector.broadcast %mul3A_146 : i32 to vector<256x1xi32>
    %mul3A_148 = arith.muli %broadcast_in_dim3A_47, %mul3A_147 : vector<256x1xi32>
    %select_n3A_149 = arith.select %lt3A_142, %add3A_136, %mul3A_148 : vector<256x1xi1>, vector<256x1xi32>
    %swap3A_150 = arith.constant 0 : index
    %swap3A_151 = arith.constant 0 : index
    %swap3A_152 = vector.load %arg7[%swap3A_150, %swap3A_151] : memref<256x1xi32, #tpu.memory_space<vmem>>, vector<256x1xi32>
    tpu.vector_store %arg7[%swap3A_150, %swap3A_151], %select_n3A_149 {strides = array<i32>} : memref<256x1xi32, #tpu.memory_space<vmem>>, vector<256x1xi32>,
    %mul3A_153 = arith.constant 1024 : i32
    %mul3A_154 = vector.broadcast %mul3A_153 : i32 to vector<256x1xi32>
    %mul3A_155 = arith.muli %broadcast_in_dim3A_63, %mul3A_154 : vector<256x1xi32>
    %select_n3A_156 = arith.select %lt3A_145, %add3A_140, %mul3A_155 : vector<256x1xi1>, vector<256x1xi32>
    %swap3A_157 = arith.constant 0 : index
    %swap3A_158 = arith.constant 0 : index
    %swap3A_159 = vector.load %arg8[%swap3A_157, %swap3A_158] : memref<256x1xi32, #tpu.memory_space<vmem>>, vector<256x1xi32>
    tpu.vector_store %arg8[%swap3A_157, %swap3A_158], %select_n3A_156 {strides = array<i32>} : memref<256x1xi32, #tpu.memory_space<vmem>>, vector<256x1xi32>,
    %jit3A_160 = arith.constant 8192 : i32
    %broadcast_in_dim3A_161 = vector.broadcast %jit3A_160 : i32 to vector<256x1xi32>
    %select_n3A_162 = arith.select %lt3A_142, %add3A_136, %broadcast_in_dim3A_161 : vector<256x1xi1>, vector<256x1xi32>
    %swap3A_163 = arith.constant 0 : index
    %swap3A_164 = arith.constant 0 : index
    %swap3A_165 = vector.load %arg9[%swap3A_163, %swap3A_164] : memref<256x1xi32, #tpu.memory_space<vmem>>, vector<256x1xi32>
    tpu.vector_store %arg9[%swap3A_163, %swap3A_164], %select_n3A_162 {strides = array<i32>} : memref<256x1xi32, #tpu.memory_space<vmem>>, vector<256x1xi32>,
    %jit3A_166 = arith.constant 8192 : i32
    %broadcast_in_dim3A_167 = vector.broadcast %jit3A_166 : i32 to vector<256x1xi32>
    %select_n3A_168 = arith.select %lt3A_145, %add3A_140, %broadcast_in_dim3A_167 : vector<256x1xi1>, vector<256x1xi32>
    %swap3A_169 = arith.constant 0 : index
    %swap3A_170 = arith.constant 0 : index
    %swap3A_171 = vector.load %arg10[%swap3A_169, %swap3A_170] : memref<256x1xi32, #tpu.memory_space<vmem>>, vector<256x1xi32>
    tpu.vector_store %arg10[%swap3A_169, %swap3A_170], %select_n3A_168 {strides = array<i32>} : memref<256x1xi32, #tpu.memory_space<vmem>>, vector<256x1xi32>,
    %jit3A_172 = arith.constant 0.000000e+00 : f32
    %broadcast_in_dim3A_173 = vector.broadcast %jit3A_172 : f32 to vector<256x1xf32>
    %select_n3A_174 = arith.select %lt3A_142, %div3A_82, %broadcast_in_dim3A_173 : vector<256x1xi1>, vector<256x1xf32>
    %swap3A_175 = arith.constant 0 : index
    %swap3A_176 = arith.constant 0 : index
    %swap3A_177 = vector.load %arg5[%swap3A_175, %swap3A_176] : memref<256x1xf32, #tpu.memory_space<vmem>>, vector<256x1xf32>
    tpu.vector_store %arg5[%swap3A_175, %swap3A_176], %select_n3A_174 {strides = array<i32>} : memref<256x1xf32, #tpu.memory_space<vmem>>, vector<256x1xf32>,
    %jit3A_178 = arith.constant 0.000000e+00 : f32
    %broadcast_in_dim3A_179 = vector.broadcast %jit3A_178 : f32 to vector<256x1xf32>
    %select_n3A_180 = arith.select %lt3A_145, %div3A_83, %broadcast_in_dim3A_179 : vector<256x1xi1>, vector<256x1xf32>
    %swap3A_181 = arith.constant 0 : index
    %swap3A_182 = arith.constant 0 : index
    %swap3A_183 = vector.load %arg6[%swap3A_181, %swap3A_182] : memref<256x1xf32, #tpu.memory_space<vmem>>, vector<256x1xf32>
    tpu.vector_store %arg6[%swap3A_181, %swap3A_182], %select_n3A_180 {strides = array<i32>} : memref<256x1xf32, #tpu.memory_space<vmem>>, vector<256x1xf32>,
    return
  }
  func.func @transform_0(%arg0: i32) -> (i32, i32) {
    %c0_i32 = arith.constant 0 : i32
    %c0_i32_0 = arith.constant 0 : i32
    return %arg0, %c0_i32 : i32, i32
  }
  func.func @transform_1(%arg0: i32) -> (i32, i32) {
    %c0_i32 = arith.constant 0 : i32
    %c0_i32_0 = arith.constant 0 : i32
    %c0_i32_1 = arith.constant 0 : i32
    return %c0_i32, %c0_i32_0 : i32, i32
  }
  func.func @transform_2(%arg0: i32) -> (i32, i32) {
    %c0_i32 = arith.constant 0 : i32
    %c0_i32_0 = arith.constant 0 : i32
    %c0_i32_1 = arith.constant 0 : i32
    return %c0_i32, %c0_i32_0 : i32, i32
  }
  func.func @transform_3(%arg0: i32) -> (i32, i32) {
    %c0_i32 = arith.constant 0 : i32
    %c0_i32_0 = arith.constant 0 : i32
    return %arg0, %c0_i32 : i32, i32
  }
  func.func @transform_4(%arg0: i32) -> (i32, i32) {
    %c0_i32 = arith.constant 0 : i32
    %c0_i32_0 = arith.constant 0 : i32
    return %arg0, %c0_i32 : i32, i32
  }
  func.func @transform_5(%arg0: i32) -> (i32, i32) {
    %c0_i32 = arith.constant 0 : i32
    %c0_i32_0 = arith.constant 0 : i32
    return %arg0, %c0_i32 : i32, i32
  }
  func.func @transform_6(%arg0: i32) -> (i32, i32) {
    %c0_i32 = arith.constant 0 : i32
    %c0_i32_0 = arith.constant 0 : i32
    return %arg0, %c0_i32 : i32, i32
  }
  func.func @transform_7(%arg0: i32) -> (i32, i32) {
    %c0_i32 = arith.constant 0 : i32
    %c0_i32_0 = arith.constant 0 : i32
    return %arg0, %c0_i32 : i32, i32
  }
  func.func @transform_8(%arg0: i32) -> (i32, i32) {
    %c0_i32 = arith.constant 0 : i32
    %c0_i32_0 = arith.constant 0 : i32
    return %arg0, %c0_i32 : i32, i32
  }
  func.func @transform_9(%arg0: i32) -> (i32, i32) {
    %c0_i32 = arith.constant 0 : i32
    %c0_i32_0 = arith.constant 0 : i32
    return %arg0, %c0_i32 : i32, i32
  }
  func.func @transform_10(%arg0: i32) -> (i32, i32) {
    %c0_i32 = arith.constant 0 : i32
    %c0_i32_0 = arith.constant 0 : i32
    %c0_i32_1 = arith.constant 0 : i32
    return %c0_i32, %c0_i32_0 : i32, i32
  }
}

module attributes {stable_mosaic.version = 14 : i64} {
  func.func @_ffn_body(%arg0: i32, %arg1: memref<1x8xi32, #tpu.memory_space<smem>>, %arg2: memref<1024x512xi32, #tpu.memory_space<vmem>>, %arg3: memref<1x1024x1024xf32, #tpu.memory_space<vmem>>, %arg4: memref<1x512x1024xf32, #tpu.memory_space<vmem>>, %arg5: memref<1024x512xi32, #tpu.memory_space<vmem>>) attributes {dimension_semantics = [#tpu.dimension_semantics<arbitrary>], iteration_bounds = array<i64: 8>, scalar_prefetch = 0 : i64, scratch_operands = 0 : i64, tpu.core_type = #tpu.core_type<tc>, window_params = [{transform_indices = @transform_0, window_bounds = array<i64: 1, 8>}, {transform_indices = @transform_1, window_bounds = array<i64: 1024, 512>}, {transform_indices = @transform_2, window_bounds = array<i64: 1, 1024, 1024>}, {transform_indices = @transform_3, window_bounds = array<i64: 1, 512, 1024>}, {transform_indices = @transform_4, window_bounds = array<i64: 1024, 512>}]} {
    %get3A = arith.constant 0 : index
    %get3A_0 = arith.index_cast %arg0 : i32 to index
    %get3A_1 = memref.load %arg1[%get3A, %get3A_0] : memref<1x8xi32, #tpu.memory_space<smem>>
    %get3A_2 = arith.constant 0 : index
    %get3A_3 = arith.constant 0 : index
    %get3A_4 = arith.constant 0 : index
    %get3A_5 = vector.load %arg3[%get3A_2, %get3A_3, %get3A_4] : memref<1x1024x1024xf32, #tpu.memory_space<vmem>>, vector<1x1024x1024xf32>
    %get3A_6 = vector.shape_cast %get3A_5 : vector<1x1024x1024xf32> to vector<1024x1024xf32>
    %convert_element_type3A = arith.truncf %get3A_6 : vector<1024x1024xf32> to vector<1024x1024xbf16>
    %get3A_7 = arith.constant 0 : index
    %get3A_8 = arith.constant 0 : index
    %get3A_9 = arith.constant 0 : index
    %get3A_10 = vector.load %arg4[%get3A_7, %get3A_8, %get3A_9] : memref<1x512x1024xf32, #tpu.memory_space<vmem>>, vector<1x512x1024xf32>
    %get3A_11 = vector.shape_cast %get3A_10 : vector<1x512x1024xf32> to vector<512x1024xf32>
    %convert_element_type3A_12 = arith.truncf %get3A_11 : vector<512x1024xf32> to vector<512x1024xbf16>
    %gt3A = arith.constant 0 : i32
    %gt3A_13 = arith.cmpi sgt, %get3A_1, %gt3A : i32
    %or3A = arith.constant true
    %or3A_14 = arith.ori %or3A, %gt3A_13 : i1
    %convert_element_type3A_15 = arith.extui %or3A_14 : i1 to i32
    %cond3A = arith.constant 0 : i32
    %cond3A_16 = arith.cmpi ne, %convert_element_type3A_15, %cond3A : i32
    scf.if %cond3A_16 {
      %iota3A = tpu.iota {dimensions = array<i32: 0>} : vector<256x1xi32>
      %add3A = arith.constant 0 : i32
      %add3A_38 = vector.broadcast %add3A : i32 to vector<256x1xi32>
      %add3A_39 = arith.addi %iota3A, %add3A_38 : vector<256x1xi32>
      %lt3A = vector.broadcast %get3A_1 : i32 to vector<256x1xi32>
      %lt3A_40 = arith.cmpi slt, %add3A_39, %lt3A : vector<256x1xi32>
      %get3A_41 = arith.constant 0 : index
      %get3A_42 = arith.constant 0 : index
      %get3A_43 = vector.load %arg2[%get3A_41, %get3A_42] : memref<1024x512xi32, #tpu.memory_space<vmem>>, vector<256x512xi32>
      %shift_left3A = arith.constant 16 : i32
      %shift_left3A_44 = vector.broadcast %shift_left3A : i32 to vector<256x512xi32>
      %shift_left3A_45 = arith.shli %get3A_43, %shift_left3A_44 : vector<256x512xi32>
      %bitcast_convert_type3A = tpu.bitcast %shift_left3A_45 : vector<256x512xi32> -> vector<256x512xf32>
      %and3A = arith.constant -65536 : i32
      %and3A_46 = vector.broadcast %and3A : i32 to vector<256x512xi32>
      %and3A_47 = arith.andi %get3A_43, %and3A_46 : vector<256x512xi32>
      %bitcast_convert_type3A_48 = tpu.bitcast %and3A_47 : vector<256x512xi32> -> vector<256x512xf32>
      %concatenate3A = tpu.concatenate %bitcast_convert_type3A, %bitcast_convert_type3A_48 in 1 : vector<256x512xf32>, vector<256x512xf32> -> vector<256x1024xf32>
      %convert_element_type3A_49 = arith.truncf %concatenate3A : vector<256x1024xf32> to vector<256x1024xbf16>
      %jit3A = arith.constant 0.000000e+00 : bf16
      %broadcast_in_dim3A = vector.shape_cast %lt3A_40 : vector<256x1xi1> to vector<256x1xi1>
      %broadcast_in_dim3A_50 = vector.broadcast %broadcast_in_dim3A : vector<256x1xi1> to vector<256x1024xi1>
      %broadcast_in_dim3A_51 = vector.broadcast %jit3A : bf16 to vector<256x1024xbf16>
      %select_n3A = arith.select %broadcast_in_dim3A_50, %convert_element_type3A_49, %broadcast_in_dim3A_51 : vector<256x1024xi1>, vector<256x1024xbf16>
      %dot_general3A = arith.constant dense<0.000000e+00> : vector<256x1024xf32>
      %dot_general3A_52 = tpu.matmul %select_n3A, %convert_element_type3A, %dot_general3A {dimension_numbers = #tpu.dot_dimension_numbers<[1], [0], [0], [1], [0, 0, 1, 1], [], []>, transpose_lhs_hint = false} : vector<256x1024xbf16>, vector<1024x1024xbf16>, vector<256x1024xf32> -> vector<256x1024xf32>
      %slice3A = vector.extract_strided_slice %dot_general3A_52 {offsets = [0, 0], sizes = [256, 512], strides = [1, 1]} : vector<256x1024xf32> to vector<256x512xf32>
      %slice3A_53 = vector.extract_strided_slice %dot_general3A_52 {offsets = [0, 512], sizes = [256, 512], strides = [1, 1]} : vector<256x1024xf32> to vector<256x512xf32>
      %logistic3A = arith.negf %slice3A : vector<256x512xf32>
      %logistic3A_54 = math.exp %logistic3A : vector<256x512xf32>
      %logistic3A_55 = arith.constant 1.000000e+00 : f32
      %logistic3A_56 = vector.broadcast %logistic3A_55 : f32 to vector<256x512xf32>
      %logistic3A_57 = arith.addf %logistic3A_56, %logistic3A_54 : vector<256x512xf32>
      %logistic3A_58 = arith.divf %logistic3A_56, %logistic3A_57 : vector<256x512xf32>
      %mul3A = arith.mulf %slice3A, %logistic3A_58 : vector<256x512xf32>
      %mul3A_59 = arith.mulf %mul3A, %slice3A_53 : vector<256x512xf32>
      %convert_element_type3A_60 = arith.truncf %mul3A_59 : vector<256x512xf32> to vector<256x512xbf16>
      %dot_general3A_61 = arith.constant dense<0.000000e+00> : vector<256x1024xf32>
      %dot_general3A_62 = tpu.matmul %convert_element_type3A_60, %convert_element_type3A_12, %dot_general3A_61 {dimension_numbers = #tpu.dot_dimension_numbers<[1], [0], [0], [1], [0, 0, 1, 1], [], []>, transpose_lhs_hint = false} : vector<256x512xbf16>, vector<512x1024xbf16>, vector<256x1024xf32> -> vector<256x1024xf32>
      %slice3A_63 = vector.extract_strided_slice %dot_general3A_62 {offsets = [0, 0], sizes = [256, 512], strides = [1, 1]} : vector<256x1024xf32> to vector<256x512xf32>
      %convert_element_type3A_64 = arith.truncf %slice3A_63 : vector<256x512xf32> to vector<256x512xbf16>
      %convert_element_type3A_65 = arith.extf %convert_element_type3A_64 : vector<256x512xbf16> to vector<256x512xf32>
      %slice3A_66 = vector.extract_strided_slice %dot_general3A_62 {offsets = [0, 512], sizes = [256, 512], strides = [1, 1]} : vector<256x1024xf32> to vector<256x512xf32>
      %convert_element_type3A_67 = arith.truncf %slice3A_66 : vector<256x512xf32> to vector<256x512xbf16>
      %convert_element_type3A_68 = arith.extf %convert_element_type3A_67 : vector<256x512xbf16> to vector<256x512xf32>
      %bitcast_convert_type3A_69 = tpu.bitcast %convert_element_type3A_65 : vector<256x512xf32> -> vector<256x512xi32>
      %shift_right_logical3A = arith.constant 16 : i32
      %shift_right_logical3A_70 = vector.broadcast %shift_right_logical3A : i32 to vector<256x512xi32>
      %shift_right_logical3A_71 = arith.shrui %bitcast_convert_type3A_69, %shift_right_logical3A_70 : vector<256x512xi32>
      %bitcast_convert_type3A_72 = tpu.bitcast %convert_element_type3A_68 : vector<256x512xf32> -> vector<256x512xi32>
      %and3A_73 = arith.constant -65536 : i32
      %and3A_74 = vector.broadcast %and3A_73 : i32 to vector<256x512xi32>
      %and3A_75 = arith.andi %bitcast_convert_type3A_72, %and3A_74 : vector<256x512xi32>
      %or3A_76 = arith.ori %shift_right_logical3A_71, %and3A_75 : vector<256x512xi32>
      %swap3A = arith.constant 0 : index
      %swap3A_77 = arith.constant 0 : index
      %swap3A_78 = vector.load %arg5[%swap3A, %swap3A_77] : memref<1024x512xi32, #tpu.memory_space<vmem>>, vector<256x512xi32>
      tpu.vector_store %arg5[%swap3A, %swap3A_77], %or3A_76 {strides = array<i32>} : memref<1024x512xi32, #tpu.memory_space<vmem>>, vector<256x512xi32>,
    } else {
    }
    %gt3A_17 = arith.constant 256 : i32
    %gt3A_18 = arith.cmpi sgt, %get3A_1, %gt3A_17 : i32
    %or3A_19 = arith.constant false
    %or3A_20 = arith.ori %or3A_19, %gt3A_18 : i1
    %convert_element_type3A_21 = arith.extui %or3A_20 : i1 to i32
    %cond3A_22 = arith.constant 0 : i32
    %cond3A_23 = arith.cmpi ne, %convert_element_type3A_21, %cond3A_22 : i32
    scf.if %cond3A_23 {
      %iota3A = tpu.iota {dimensions = array<i32: 0>} : vector<256x1xi32>
      %add3A = arith.constant 256 : i32
      %add3A_38 = vector.broadcast %add3A : i32 to vector<256x1xi32>
      %add3A_39 = arith.addi %iota3A, %add3A_38 : vector<256x1xi32>
      %lt3A = vector.broadcast %get3A_1 : i32 to vector<256x1xi32>
      %lt3A_40 = arith.cmpi slt, %add3A_39, %lt3A : vector<256x1xi32>
      %get3A_41 = arith.constant 256 : index
      %get3A_42 = arith.constant 0 : index
      %get3A_43 = vector.load %arg2[%get3A_41, %get3A_42] : memref<1024x512xi32, #tpu.memory_space<vmem>>, vector<256x512xi32>
      %shift_left3A = arith.constant 16 : i32
      %shift_left3A_44 = vector.broadcast %shift_left3A : i32 to vector<256x512xi32>
      %shift_left3A_45 = arith.shli %get3A_43, %shift_left3A_44 : vector<256x512xi32>
      %bitcast_convert_type3A = tpu.bitcast %shift_left3A_45 : vector<256x512xi32> -> vector<256x512xf32>
      %and3A = arith.constant -65536 : i32
      %and3A_46 = vector.broadcast %and3A : i32 to vector<256x512xi32>
      %and3A_47 = arith.andi %get3A_43, %and3A_46 : vector<256x512xi32>
      %bitcast_convert_type3A_48 = tpu.bitcast %and3A_47 : vector<256x512xi32> -> vector<256x512xf32>
      %concatenate3A = tpu.concatenate %bitcast_convert_type3A, %bitcast_convert_type3A_48 in 1 : vector<256x512xf32>, vector<256x512xf32> -> vector<256x1024xf32>
      %convert_element_type3A_49 = arith.truncf %concatenate3A : vector<256x1024xf32> to vector<256x1024xbf16>
      %jit3A = arith.constant 0.000000e+00 : bf16
      %broadcast_in_dim3A = vector.shape_cast %lt3A_40 : vector<256x1xi1> to vector<256x1xi1>
      %broadcast_in_dim3A_50 = vector.broadcast %broadcast_in_dim3A : vector<256x1xi1> to vector<256x1024xi1>
      %broadcast_in_dim3A_51 = vector.broadcast %jit3A : bf16 to vector<256x1024xbf16>
      %select_n3A = arith.select %broadcast_in_dim3A_50, %convert_element_type3A_49, %broadcast_in_dim3A_51 : vector<256x1024xi1>, vector<256x1024xbf16>
      %dot_general3A = arith.constant dense<0.000000e+00> : vector<256x1024xf32>
      %dot_general3A_52 = tpu.matmul %select_n3A, %convert_element_type3A, %dot_general3A {dimension_numbers = #tpu.dot_dimension_numbers<[1], [0], [0], [1], [0, 0, 1, 1], [], []>, transpose_lhs_hint = false} : vector<256x1024xbf16>, vector<1024x1024xbf16>, vector<256x1024xf32> -> vector<256x1024xf32>
      %slice3A = vector.extract_strided_slice %dot_general3A_52 {offsets = [0, 0], sizes = [256, 512], strides = [1, 1]} : vector<256x1024xf32> to vector<256x512xf32>
      %slice3A_53 = vector.extract_strided_slice %dot_general3A_52 {offsets = [0, 512], sizes = [256, 512], strides = [1, 1]} : vector<256x1024xf32> to vector<256x512xf32>
      %logistic3A = arith.negf %slice3A : vector<256x512xf32>
      %logistic3A_54 = math.exp %logistic3A : vector<256x512xf32>
      %logistic3A_55 = arith.constant 1.000000e+00 : f32
      %logistic3A_56 = vector.broadcast %logistic3A_55 : f32 to vector<256x512xf32>
      %logistic3A_57 = arith.addf %logistic3A_56, %logistic3A_54 : vector<256x512xf32>
      %logistic3A_58 = arith.divf %logistic3A_56, %logistic3A_57 : vector<256x512xf32>
      %mul3A = arith.mulf %slice3A, %logistic3A_58 : vector<256x512xf32>
      %mul3A_59 = arith.mulf %mul3A, %slice3A_53 : vector<256x512xf32>
      %convert_element_type3A_60 = arith.truncf %mul3A_59 : vector<256x512xf32> to vector<256x512xbf16>
      %dot_general3A_61 = arith.constant dense<0.000000e+00> : vector<256x1024xf32>
      %dot_general3A_62 = tpu.matmul %convert_element_type3A_60, %convert_element_type3A_12, %dot_general3A_61 {dimension_numbers = #tpu.dot_dimension_numbers<[1], [0], [0], [1], [0, 0, 1, 1], [], []>, transpose_lhs_hint = false} : vector<256x512xbf16>, vector<512x1024xbf16>, vector<256x1024xf32> -> vector<256x1024xf32>
      %slice3A_63 = vector.extract_strided_slice %dot_general3A_62 {offsets = [0, 0], sizes = [256, 512], strides = [1, 1]} : vector<256x1024xf32> to vector<256x512xf32>
      %convert_element_type3A_64 = arith.truncf %slice3A_63 : vector<256x512xf32> to vector<256x512xbf16>
      %convert_element_type3A_65 = arith.extf %convert_element_type3A_64 : vector<256x512xbf16> to vector<256x512xf32>
      %slice3A_66 = vector.extract_strided_slice %dot_general3A_62 {offsets = [0, 512], sizes = [256, 512], strides = [1, 1]} : vector<256x1024xf32> to vector<256x512xf32>
      %convert_element_type3A_67 = arith.truncf %slice3A_66 : vector<256x512xf32> to vector<256x512xbf16>
      %convert_element_type3A_68 = arith.extf %convert_element_type3A_67 : vector<256x512xbf16> to vector<256x512xf32>
      %bitcast_convert_type3A_69 = tpu.bitcast %convert_element_type3A_65 : vector<256x512xf32> -> vector<256x512xi32>
      %shift_right_logical3A = arith.constant 16 : i32
      %shift_right_logical3A_70 = vector.broadcast %shift_right_logical3A : i32 to vector<256x512xi32>
      %shift_right_logical3A_71 = arith.shrui %bitcast_convert_type3A_69, %shift_right_logical3A_70 : vector<256x512xi32>
      %bitcast_convert_type3A_72 = tpu.bitcast %convert_element_type3A_68 : vector<256x512xf32> -> vector<256x512xi32>
      %and3A_73 = arith.constant -65536 : i32
      %and3A_74 = vector.broadcast %and3A_73 : i32 to vector<256x512xi32>
      %and3A_75 = arith.andi %bitcast_convert_type3A_72, %and3A_74 : vector<256x512xi32>
      %or3A_76 = arith.ori %shift_right_logical3A_71, %and3A_75 : vector<256x512xi32>
      %swap3A = arith.constant 256 : index
      %swap3A_77 = arith.constant 0 : index
      %swap3A_78 = vector.load %arg5[%swap3A, %swap3A_77] : memref<1024x512xi32, #tpu.memory_space<vmem>>, vector<256x512xi32>
      tpu.vector_store %arg5[%swap3A, %swap3A_77], %or3A_76 {strides = array<i32>} : memref<1024x512xi32, #tpu.memory_space<vmem>>, vector<256x512xi32>,
    } else {
    }
    %gt3A_24 = arith.constant 512 : i32
    %gt3A_25 = arith.cmpi sgt, %get3A_1, %gt3A_24 : i32
    %or3A_26 = arith.constant false
    %or3A_27 = arith.ori %or3A_26, %gt3A_25 : i1
    %convert_element_type3A_28 = arith.extui %or3A_27 : i1 to i32
    %cond3A_29 = arith.constant 0 : i32
    %cond3A_30 = arith.cmpi ne, %convert_element_type3A_28, %cond3A_29 : i32
    scf.if %cond3A_30 {
      %iota3A = tpu.iota {dimensions = array<i32: 0>} : vector<256x1xi32>
      %add3A = arith.constant 512 : i32
      %add3A_38 = vector.broadcast %add3A : i32 to vector<256x1xi32>
      %add3A_39 = arith.addi %iota3A, %add3A_38 : vector<256x1xi32>
      %lt3A = vector.broadcast %get3A_1 : i32 to vector<256x1xi32>
      %lt3A_40 = arith.cmpi slt, %add3A_39, %lt3A : vector<256x1xi32>
      %get3A_41 = arith.constant 512 : index
      %get3A_42 = arith.constant 0 : index
      %get3A_43 = vector.load %arg2[%get3A_41, %get3A_42] : memref<1024x512xi32, #tpu.memory_space<vmem>>, vector<256x512xi32>
      %shift_left3A = arith.constant 16 : i32
      %shift_left3A_44 = vector.broadcast %shift_left3A : i32 to vector<256x512xi32>
      %shift_left3A_45 = arith.shli %get3A_43, %shift_left3A_44 : vector<256x512xi32>
      %bitcast_convert_type3A = tpu.bitcast %shift_left3A_45 : vector<256x512xi32> -> vector<256x512xf32>
      %and3A = arith.constant -65536 : i32
      %and3A_46 = vector.broadcast %and3A : i32 to vector<256x512xi32>
      %and3A_47 = arith.andi %get3A_43, %and3A_46 : vector<256x512xi32>
      %bitcast_convert_type3A_48 = tpu.bitcast %and3A_47 : vector<256x512xi32> -> vector<256x512xf32>
      %concatenate3A = tpu.concatenate %bitcast_convert_type3A, %bitcast_convert_type3A_48 in 1 : vector<256x512xf32>, vector<256x512xf32> -> vector<256x1024xf32>
      %convert_element_type3A_49 = arith.truncf %concatenate3A : vector<256x1024xf32> to vector<256x1024xbf16>
      %jit3A = arith.constant 0.000000e+00 : bf16
      %broadcast_in_dim3A = vector.shape_cast %lt3A_40 : vector<256x1xi1> to vector<256x1xi1>
      %broadcast_in_dim3A_50 = vector.broadcast %broadcast_in_dim3A : vector<256x1xi1> to vector<256x1024xi1>
      %broadcast_in_dim3A_51 = vector.broadcast %jit3A : bf16 to vector<256x1024xbf16>
      %select_n3A = arith.select %broadcast_in_dim3A_50, %convert_element_type3A_49, %broadcast_in_dim3A_51 : vector<256x1024xi1>, vector<256x1024xbf16>
      %dot_general3A = arith.constant dense<0.000000e+00> : vector<256x1024xf32>
      %dot_general3A_52 = tpu.matmul %select_n3A, %convert_element_type3A, %dot_general3A {dimension_numbers = #tpu.dot_dimension_numbers<[1], [0], [0], [1], [0, 0, 1, 1], [], []>, transpose_lhs_hint = false} : vector<256x1024xbf16>, vector<1024x1024xbf16>, vector<256x1024xf32> -> vector<256x1024xf32>
      %slice3A = vector.extract_strided_slice %dot_general3A_52 {offsets = [0, 0], sizes = [256, 512], strides = [1, 1]} : vector<256x1024xf32> to vector<256x512xf32>
      %slice3A_53 = vector.extract_strided_slice %dot_general3A_52 {offsets = [0, 512], sizes = [256, 512], strides = [1, 1]} : vector<256x1024xf32> to vector<256x512xf32>
      %logistic3A = arith.negf %slice3A : vector<256x512xf32>
      %logistic3A_54 = math.exp %logistic3A : vector<256x512xf32>
      %logistic3A_55 = arith.constant 1.000000e+00 : f32
      %logistic3A_56 = vector.broadcast %logistic3A_55 : f32 to vector<256x512xf32>
      %logistic3A_57 = arith.addf %logistic3A_56, %logistic3A_54 : vector<256x512xf32>
      %logistic3A_58 = arith.divf %logistic3A_56, %logistic3A_57 : vector<256x512xf32>
      %mul3A = arith.mulf %slice3A, %logistic3A_58 : vector<256x512xf32>
      %mul3A_59 = arith.mulf %mul3A, %slice3A_53 : vector<256x512xf32>
      %convert_element_type3A_60 = arith.truncf %mul3A_59 : vector<256x512xf32> to vector<256x512xbf16>
      %dot_general3A_61 = arith.constant dense<0.000000e+00> : vector<256x1024xf32>
      %dot_general3A_62 = tpu.matmul %convert_element_type3A_60, %convert_element_type3A_12, %dot_general3A_61 {dimension_numbers = #tpu.dot_dimension_numbers<[1], [0], [0], [1], [0, 0, 1, 1], [], []>, transpose_lhs_hint = false} : vector<256x512xbf16>, vector<512x1024xbf16>, vector<256x1024xf32> -> vector<256x1024xf32>
      %slice3A_63 = vector.extract_strided_slice %dot_general3A_62 {offsets = [0, 0], sizes = [256, 512], strides = [1, 1]} : vector<256x1024xf32> to vector<256x512xf32>
      %convert_element_type3A_64 = arith.truncf %slice3A_63 : vector<256x512xf32> to vector<256x512xbf16>
      %convert_element_type3A_65 = arith.extf %convert_element_type3A_64 : vector<256x512xbf16> to vector<256x512xf32>
      %slice3A_66 = vector.extract_strided_slice %dot_general3A_62 {offsets = [0, 512], sizes = [256, 512], strides = [1, 1]} : vector<256x1024xf32> to vector<256x512xf32>
      %convert_element_type3A_67 = arith.truncf %slice3A_66 : vector<256x512xf32> to vector<256x512xbf16>
      %convert_element_type3A_68 = arith.extf %convert_element_type3A_67 : vector<256x512xbf16> to vector<256x512xf32>
      %bitcast_convert_type3A_69 = tpu.bitcast %convert_element_type3A_65 : vector<256x512xf32> -> vector<256x512xi32>
      %shift_right_logical3A = arith.constant 16 : i32
      %shift_right_logical3A_70 = vector.broadcast %shift_right_logical3A : i32 to vector<256x512xi32>
      %shift_right_logical3A_71 = arith.shrui %bitcast_convert_type3A_69, %shift_right_logical3A_70 : vector<256x512xi32>
      %bitcast_convert_type3A_72 = tpu.bitcast %convert_element_type3A_68 : vector<256x512xf32> -> vector<256x512xi32>
      %and3A_73 = arith.constant -65536 : i32
      %and3A_74 = vector.broadcast %and3A_73 : i32 to vector<256x512xi32>
      %and3A_75 = arith.andi %bitcast_convert_type3A_72, %and3A_74 : vector<256x512xi32>
      %or3A_76 = arith.ori %shift_right_logical3A_71, %and3A_75 : vector<256x512xi32>
      %swap3A = arith.constant 512 : index
      %swap3A_77 = arith.constant 0 : index
      %swap3A_78 = vector.load %arg5[%swap3A, %swap3A_77] : memref<1024x512xi32, #tpu.memory_space<vmem>>, vector<256x512xi32>
      tpu.vector_store %arg5[%swap3A, %swap3A_77], %or3A_76 {strides = array<i32>} : memref<1024x512xi32, #tpu.memory_space<vmem>>, vector<256x512xi32>,
    } else {
    }
    %gt3A_31 = arith.constant 768 : i32
    %gt3A_32 = arith.cmpi sgt, %get3A_1, %gt3A_31 : i32
    %or3A_33 = arith.constant false
    %or3A_34 = arith.ori %or3A_33, %gt3A_32 : i1
    %convert_element_type3A_35 = arith.extui %or3A_34 : i1 to i32
    %cond3A_36 = arith.constant 0 : i32
    %cond3A_37 = arith.cmpi ne, %convert_element_type3A_35, %cond3A_36 : i32
    scf.if %cond3A_37 {
      %iota3A = tpu.iota {dimensions = array<i32: 0>} : vector<256x1xi32>
      %add3A = arith.constant 768 : i32
      %add3A_38 = vector.broadcast %add3A : i32 to vector<256x1xi32>
      %add3A_39 = arith.addi %iota3A, %add3A_38 : vector<256x1xi32>
      %lt3A = vector.broadcast %get3A_1 : i32 to vector<256x1xi32>
      %lt3A_40 = arith.cmpi slt, %add3A_39, %lt3A : vector<256x1xi32>
      %get3A_41 = arith.constant 768 : index
      %get3A_42 = arith.constant 0 : index
      %get3A_43 = vector.load %arg2[%get3A_41, %get3A_42] : memref<1024x512xi32, #tpu.memory_space<vmem>>, vector<256x512xi32>
      %shift_left3A = arith.constant 16 : i32
      %shift_left3A_44 = vector.broadcast %shift_left3A : i32 to vector<256x512xi32>
      %shift_left3A_45 = arith.shli %get3A_43, %shift_left3A_44 : vector<256x512xi32>
      %bitcast_convert_type3A = tpu.bitcast %shift_left3A_45 : vector<256x512xi32> -> vector<256x512xf32>
      %and3A = arith.constant -65536 : i32
      %and3A_46 = vector.broadcast %and3A : i32 to vector<256x512xi32>
      %and3A_47 = arith.andi %get3A_43, %and3A_46 : vector<256x512xi32>
      %bitcast_convert_type3A_48 = tpu.bitcast %and3A_47 : vector<256x512xi32> -> vector<256x512xf32>
      %concatenate3A = tpu.concatenate %bitcast_convert_type3A, %bitcast_convert_type3A_48 in 1 : vector<256x512xf32>, vector<256x512xf32> -> vector<256x1024xf32>
      %convert_element_type3A_49 = arith.truncf %concatenate3A : vector<256x1024xf32> to vector<256x1024xbf16>
      %jit3A = arith.constant 0.000000e+00 : bf16
      %broadcast_in_dim3A = vector.shape_cast %lt3A_40 : vector<256x1xi1> to vector<256x1xi1>
      %broadcast_in_dim3A_50 = vector.broadcast %broadcast_in_dim3A : vector<256x1xi1> to vector<256x1024xi1>
      %broadcast_in_dim3A_51 = vector.broadcast %jit3A : bf16 to vector<256x1024xbf16>
      %select_n3A = arith.select %broadcast_in_dim3A_50, %convert_element_type3A_49, %broadcast_in_dim3A_51 : vector<256x1024xi1>, vector<256x1024xbf16>
      %dot_general3A = arith.constant dense<0.000000e+00> : vector<256x1024xf32>
      %dot_general3A_52 = tpu.matmul %select_n3A, %convert_element_type3A, %dot_general3A {dimension_numbers = #tpu.dot_dimension_numbers<[1], [0], [0], [1], [0, 0, 1, 1], [], []>, transpose_lhs_hint = false} : vector<256x1024xbf16>, vector<1024x1024xbf16>, vector<256x1024xf32> -> vector<256x1024xf32>
      %slice3A = vector.extract_strided_slice %dot_general3A_52 {offsets = [0, 0], sizes = [256, 512], strides = [1, 1]} : vector<256x1024xf32> to vector<256x512xf32>
      %slice3A_53 = vector.extract_strided_slice %dot_general3A_52 {offsets = [0, 512], sizes = [256, 512], strides = [1, 1]} : vector<256x1024xf32> to vector<256x512xf32>
      %logistic3A = arith.negf %slice3A : vector<256x512xf32>
      %logistic3A_54 = math.exp %logistic3A : vector<256x512xf32>
      %logistic3A_55 = arith.constant 1.000000e+00 : f32
      %logistic3A_56 = vector.broadcast %logistic3A_55 : f32 to vector<256x512xf32>
      %logistic3A_57 = arith.addf %logistic3A_56, %logistic3A_54 : vector<256x512xf32>
      %logistic3A_58 = arith.divf %logistic3A_56, %logistic3A_57 : vector<256x512xf32>
      %mul3A = arith.mulf %slice3A, %logistic3A_58 : vector<256x512xf32>
      %mul3A_59 = arith.mulf %mul3A, %slice3A_53 : vector<256x512xf32>
      %convert_element_type3A_60 = arith.truncf %mul3A_59 : vector<256x512xf32> to vector<256x512xbf16>
      %dot_general3A_61 = arith.constant dense<0.000000e+00> : vector<256x1024xf32>
      %dot_general3A_62 = tpu.matmul %convert_element_type3A_60, %convert_element_type3A_12, %dot_general3A_61 {dimension_numbers = #tpu.dot_dimension_numbers<[1], [0], [0], [1], [0, 0, 1, 1], [], []>, transpose_lhs_hint = false} : vector<256x512xbf16>, vector<512x1024xbf16>, vector<256x1024xf32> -> vector<256x1024xf32>
      %slice3A_63 = vector.extract_strided_slice %dot_general3A_62 {offsets = [0, 0], sizes = [256, 512], strides = [1, 1]} : vector<256x1024xf32> to vector<256x512xf32>
      %convert_element_type3A_64 = arith.truncf %slice3A_63 : vector<256x512xf32> to vector<256x512xbf16>
      %convert_element_type3A_65 = arith.extf %convert_element_type3A_64 : vector<256x512xbf16> to vector<256x512xf32>
      %slice3A_66 = vector.extract_strided_slice %dot_general3A_62 {offsets = [0, 512], sizes = [256, 512], strides = [1, 1]} : vector<256x1024xf32> to vector<256x512xf32>
      %convert_element_type3A_67 = arith.truncf %slice3A_66 : vector<256x512xf32> to vector<256x512xbf16>
      %convert_element_type3A_68 = arith.extf %convert_element_type3A_67 : vector<256x512xbf16> to vector<256x512xf32>
      %bitcast_convert_type3A_69 = tpu.bitcast %convert_element_type3A_65 : vector<256x512xf32> -> vector<256x512xi32>
      %shift_right_logical3A = arith.constant 16 : i32
      %shift_right_logical3A_70 = vector.broadcast %shift_right_logical3A : i32 to vector<256x512xi32>
      %shift_right_logical3A_71 = arith.shrui %bitcast_convert_type3A_69, %shift_right_logical3A_70 : vector<256x512xi32>
      %bitcast_convert_type3A_72 = tpu.bitcast %convert_element_type3A_68 : vector<256x512xf32> -> vector<256x512xi32>
      %and3A_73 = arith.constant -65536 : i32
      %and3A_74 = vector.broadcast %and3A_73 : i32 to vector<256x512xi32>
      %and3A_75 = arith.andi %bitcast_convert_type3A_72, %and3A_74 : vector<256x512xi32>
      %or3A_76 = arith.ori %shift_right_logical3A_71, %and3A_75 : vector<256x512xi32>
      %swap3A = arith.constant 768 : index
      %swap3A_77 = arith.constant 0 : index
      %swap3A_78 = vector.load %arg5[%swap3A, %swap3A_77] : memref<1024x512xi32, #tpu.memory_space<vmem>>, vector<256x512xi32>
      tpu.vector_store %arg5[%swap3A, %swap3A_77], %or3A_76 {strides = array<i32>} : memref<1024x512xi32, #tpu.memory_space<vmem>>, vector<256x512xi32>,
    } else {
    }
    return
  }
  func.func @transform_0(%arg0: i32) -> (i32, i32) {
    %c0_i32 = arith.constant 0 : i32
    %c0_i32_0 = arith.constant 0 : i32
    %c0_i32_1 = arith.constant 0 : i32
    return %c0_i32, %c0_i32_0 : i32, i32
  }
  func.func @transform_1(%arg0: i32) -> (i32, i32) {
    %c0_i32 = arith.constant 0 : i32
    %c0_i32_0 = arith.constant 0 : i32
    return %arg0, %c0_i32 : i32, i32
  }
  func.func @transform_2(%arg0: i32) -> (i32, i32, i32) {
    %c0_i32 = arith.constant 0 : i32
    %c0_i32_0 = arith.constant 0 : i32
    %c0_i32_1 = arith.constant 0 : i32
    return %arg0, %c0_i32, %c0_i32_0 : i32, i32, i32
  }
  func.func @transform_3(%arg0: i32) -> (i32, i32, i32) {
    %c0_i32 = arith.constant 0 : i32
    %c0_i32_0 = arith.constant 0 : i32
    %c0_i32_1 = arith.constant 0 : i32
    return %arg0, %c0_i32, %c0_i32_0 : i32, i32, i32
  }
  func.func @transform_4(%arg0: i32) -> (i32, i32) {
    %c0_i32 = arith.constant 0 : i32
    %c0_i32_0 = arith.constant 0 : i32
    return %arg0, %c0_i32 : i32, i32
  }
}

module attributes {stable_mosaic.version = 14 : i64} {
  func.func @_combine_body(%arg0: i32, %arg1: memref<256x1024xbf16, #tpu.memory_space<vmem>>, %arg2: memref<256x512xi32, #tpu.memory_space<vmem>>, %arg3: memref<256x512xi32, #tpu.memory_space<vmem>>, %arg4: memref<256x1xf32, #tpu.memory_space<vmem>>, %arg5: memref<256x1xf32, #tpu.memory_space<vmem>>, %arg6: memref<256x1024xf32, #tpu.memory_space<vmem>>, %arg7: memref<256x1024xf32, #tpu.memory_space<vmem>>) attributes {dimension_semantics = [#tpu.dimension_semantics<arbitrary>], iteration_bounds = array<i64: 8>, scalar_prefetch = 0 : i64, scratch_operands = 0 : i64, tpu.core_type = #tpu.core_type<tc>, window_params = [{transform_indices = @transform_0, window_bounds = array<i64: 256, 1024>}, {transform_indices = @transform_1, window_bounds = array<i64: 256, 512>}, {transform_indices = @transform_2, window_bounds = array<i64: 256, 512>}, {transform_indices = @transform_3, window_bounds = array<i64: 256, 1>}, {transform_indices = @transform_4, window_bounds = array<i64: 256, 1>}, {transform_indices = @transform_5, window_bounds = array<i64: 256, 1024>}, {transform_indices = @transform_6, window_bounds = array<i64: 256, 1024>}]} {
    %get3A = arith.constant 0 : index
    %get3A_0 = arith.constant 0 : index
    %get3A_1 = vector.load %arg1[%get3A, %get3A_0] : memref<256x1024xbf16, #tpu.memory_space<vmem>>, vector<256x1024xbf16>
    %convert_element_type3A = arith.extf %get3A_1 : vector<256x1024xbf16> to vector<256x1024xf32>
    %get3A_2 = arith.constant 0 : index
    %get3A_3 = arith.constant 0 : index
    %get3A_4 = vector.load %arg2[%get3A_2, %get3A_3] : memref<256x512xi32, #tpu.memory_space<vmem>>, vector<256x512xi32>
    %shift_left3A = arith.constant 16 : i32
    %shift_left3A_5 = vector.broadcast %shift_left3A : i32 to vector<256x512xi32>
    %shift_left3A_6 = arith.shli %get3A_4, %shift_left3A_5 : vector<256x512xi32>
    %bitcast_convert_type3A = tpu.bitcast %shift_left3A_6 : vector<256x512xi32> -> vector<256x512xf32>
    %and3A = arith.constant -65536 : i32
    %and3A_7 = vector.broadcast %and3A : i32 to vector<256x512xi32>
    %and3A_8 = arith.andi %get3A_4, %and3A_7 : vector<256x512xi32>
    %bitcast_convert_type3A_9 = tpu.bitcast %and3A_8 : vector<256x512xi32> -> vector<256x512xf32>
    %concatenate3A = tpu.concatenate %bitcast_convert_type3A, %bitcast_convert_type3A_9 in 1 : vector<256x512xf32>, vector<256x512xf32> -> vector<256x1024xf32>
    %convert_element_type3A_10 = arith.truncf %concatenate3A : vector<256x1024xf32> to vector<256x1024xbf16>
    %convert_element_type3A_11 = arith.extf %convert_element_type3A_10 : vector<256x1024xbf16> to vector<256x1024xf32>
    %get3A_12 = arith.constant 0 : index
    %get3A_13 = arith.constant 0 : index
    %get3A_14 = vector.load %arg4[%get3A_12, %get3A_13] : memref<256x1xf32, #tpu.memory_space<vmem>>, vector<256x1xf32>
    %mul3A = vector.broadcast %get3A_14 : vector<256x1xf32> to vector<256x1024xf32>
    %mul3A_15 = arith.mulf %convert_element_type3A_11, %mul3A : vector<256x1024xf32>
    %add3A = arith.addf %convert_element_type3A, %mul3A_15 : vector<256x1024xf32>
    %get3A_16 = arith.constant 0 : index
    %get3A_17 = arith.constant 0 : index
    %get3A_18 = vector.load %arg3[%get3A_16, %get3A_17] : memref<256x512xi32, #tpu.memory_space<vmem>>, vector<256x512xi32>
    %shift_left3A_19 = arith.constant 16 : i32
    %shift_left3A_20 = vector.broadcast %shift_left3A_19 : i32 to vector<256x512xi32>
    %shift_left3A_21 = arith.shli %get3A_18, %shift_left3A_20 : vector<256x512xi32>
    %bitcast_convert_type3A_22 = tpu.bitcast %shift_left3A_21 : vector<256x512xi32> -> vector<256x512xf32>
    %and3A_23 = arith.constant -65536 : i32
    %and3A_24 = vector.broadcast %and3A_23 : i32 to vector<256x512xi32>
    %and3A_25 = arith.andi %get3A_18, %and3A_24 : vector<256x512xi32>
    %bitcast_convert_type3A_26 = tpu.bitcast %and3A_25 : vector<256x512xi32> -> vector<256x512xf32>
    %concatenate3A_27 = tpu.concatenate %bitcast_convert_type3A_22, %bitcast_convert_type3A_26 in 1 : vector<256x512xf32>, vector<256x512xf32> -> vector<256x1024xf32>
    %convert_element_type3A_28 = arith.truncf %concatenate3A_27 : vector<256x1024xf32> to vector<256x1024xbf16>
    %convert_element_type3A_29 = arith.extf %convert_element_type3A_28 : vector<256x1024xbf16> to vector<256x1024xf32>
    %get3A_30 = arith.constant 0 : index
    %get3A_31 = arith.constant 0 : index
    %get3A_32 = vector.load %arg5[%get3A_30, %get3A_31] : memref<256x1xf32, #tpu.memory_space<vmem>>, vector<256x1xf32>
    %mul3A_33 = vector.broadcast %get3A_32 : vector<256x1xf32> to vector<256x1024xf32>
    %mul3A_34 = arith.mulf %convert_element_type3A_29, %mul3A_33 : vector<256x1024xf32>
    %add3A_35 = arith.addf %add3A, %mul3A_34 : vector<256x1024xf32>
    %get3A_36 = arith.constant 0 : index
    %get3A_37 = arith.constant 0 : index
    %get3A_38 = vector.load %arg6[%get3A_36, %get3A_37] : memref<256x1024xf32, #tpu.memory_space<vmem>>, vector<256x1024xf32>
    %add3A_39 = arith.addf %add3A_35, %get3A_38 : vector<256x1024xf32>
    %swap3A = arith.constant 0 : index
    %swap3A_40 = arith.constant 0 : index
    %swap3A_41 = vector.load %arg7[%swap3A, %swap3A_40] : memref<256x1024xf32, #tpu.memory_space<vmem>>, vector<256x1024xf32>
    tpu.vector_store %arg7[%swap3A, %swap3A_40], %add3A_39 {strides = array<i32>} : memref<256x1024xf32, #tpu.memory_space<vmem>>, vector<256x1024xf32>,
    return
  }
  func.func @transform_0(%arg0: i32) -> (i32, i32) {
    %c0_i32 = arith.constant 0 : i32
    %c0_i32_0 = arith.constant 0 : i32
    return %arg0, %c0_i32 : i32, i32
  }
  func.func @transform_1(%arg0: i32) -> (i32, i32) {
    %c0_i32 = arith.constant 0 : i32
    %c0_i32_0 = arith.constant 0 : i32
    return %arg0, %c0_i32 : i32, i32
  }
  func.func @transform_2(%arg0: i32) -> (i32, i32) {
    %c0_i32 = arith.constant 0 : i32
    %c0_i32_0 = arith.constant 0 : i32
    return %arg0, %c0_i32 : i32, i32
  }
  func.func @transform_3(%arg0: i32) -> (i32, i32) {
    %c0_i32 = arith.constant 0 : i32
    %c0_i32_0 = arith.constant 0 : i32
    return %arg0, %c0_i32 : i32, i32
  }
  func.func @transform_4(%arg0: i32) -> (i32, i32) {
    %c0_i32 = arith.constant 0 : i32
    %c0_i32_0 = arith.constant 0 : i32
    return %arg0, %c0_i32 : i32, i32
  }
  func.func @transform_5(%arg0: i32) -> (i32, i32) {
    %c0_i32 = arith.constant 0 : i32
    %c0_i32_0 = arith.constant 0 : i32
    return %arg0, %c0_i32 : i32, i32
  }
  func.func @transform_6(%arg0: i32) -> (i32, i32) {
    %c0_i32 = arith.constant 0 : i32
    %c0_i32_0 = arith.constant 0 : i32
    return %arg0, %c0_i32 : i32, i32
  }
}

</mosaic_0001>

<sc_bundles>
// kernel: kernel.11.cloned.1.call-start
scs
__scs_entry_jumppad:
0x0: {  	(pc) =	sbr.rel $0x88, $3  }
0x1: {  	(tag) =	ssettag $0x0;
	lr =	simm.s32 $0x1  }
0x2: {  	[smem:$0x3F99] =	sst lr;
	_ =	strace $0xD0000000  }
0x3: {  	_ = 	snop  }
0x4: {  	_ = 	snop  }
0x5: {  	_ = 	snop  }
0x6: {  	_ = 	snop  }
0x7: {  	_ = 	snop  }
__scs_overlays_trampoline_lowered:
0x8: {  	[smem:$0x3FA8] =	sst s0  }
0x9: {  	[smem:$0x3FA9] =	sst s1  }
0xa: {  	[smem:$0x3FAA] =	sst s2  }
0xb: {  	[smem:$0x3FAB] =	sst s3  }
0xc: {  	[smem:$0x3FAC] =	sst s4  }
0xd: {  	[smem:$0x3FAD] =	sst s5  }
0xe: {  	[smem:$0x3FAE] =	sst s6  }
0xf: {  	[smem:$0x3FAF] =	sst s7  }
0x10: {  	[smem:$0x3FB0] =	sst s8  }
0x11: {  	[smem:$0x3FB1] =	sst s9;
	s0 =	simm.s32 @!p0 $0x0  }
0x12: {  	s1 =	sld [smem:$0x3F97];
	s0 =	simm.s32 @p0 $0x1  }
0x13: {  	[smem:$0x3FB2] =	sst s0;
	s0 =	simm.s32 @!p1 $0x0  }
0x14: {  	s2 =	sld [smem:$0x3F96];
	s0 =	simm.s32 @p1 $0x1  }
0x15: {  	[smem:$0x3FB3] =	sst s0;
	s0 =	simm.s32 @!p2 $0x0  }
0x16: {  	s3 =	sld [smem:$0x3FDB];
	s0 =	simm.s32 @p2 $0x1  }
0x17: {  	s4 =	simm.s32 $0x1BF5;
	[smem:$0x3FB5] =	sst s0  }
0x18: {  	s0 =	sld [smem:$0x3F98];
	_ =	swait.ge [sflag:s4], $0x0  }
0x19: {  	s7 =	sld [smem:$0x3F99]  }
0x1a: {  	s8 =	sadd.s32 $0xFFFFE003, lr  }
0x1b: {  	s9 =	sadd.s32 $0xFFFFFEF7, lr;
	s5 =	simm.s32 $0xFFFFFFFF;
	p2 =	slt.u32 s8, $0xFFFFF086  }
0x1c: {  	p1 =	slt.u32 s9, $0xF7A;
	s5 =	simm.s32 @!p2 $0x0  }
0x1d: {  	s5 =	simm.s32 @p1 $0x1;
	p0 =	seq.s32 s7, s2  }
0x1e: {  	s7 =	smul.u32 @!p0 $0xF7A, s2;
	p2 =	seq.s32 @!p0 s5, $0x0  }
0x1f: {  	s9 =	smul.u32 $0xF7A, s1;
	s8 =	simm.s32 @!p0 $0x1BF5;
	p2 =	por !p2, p0  }
0x20: {  	[sflag:s8] =	ssyncset.s32 @!p0 $0xFFFFF086;
	s6 =	sadd.s32 @!p0 s3, s7;
	s7 =	simm.s32 @!p0 $0x108  }
0x21: {  	s3 =	sadd.s32 s3, s9;
	s6 =	sadd.s32 @!p0 $0x88, s6;
	s7 =	simm.s32 @p2 $0x1082  }
0x22: {  	[simem:s7], [sflag:s8] =	dma.local @!p0 [hbm:s6], $0xF7A  }
0x23: {  	s9 =	sor.u32 $0xD0000000, s2;
	s6 =	simm.s32 $0x108;
	_ =	swait.ge @!p0 [sflag:s8], $0x0  }
0x24: {  	s3 =	sadd.s32 $0x88, s3;
	s6 =	simm.s32 @!p1 $0x1082;
	[sflag:s4] =	ssyncset.s32 $0xFFFFF086  }
0x25: {  	[simem:s6], [sflag:s4] =	dma.local [hbm:s3], $0xF7A  }
0x26: {  	[smem:$0x3F99] =	sst s1;
	(tag) =	ssettag s2;
	_ =	strace s9  }
0x27: {  	s1 =	sld [smem:$0x3FA9]  }
0x28: {  	s2 =	sld [smem:$0x3FAA]  }
0x29: {  	s4 =	sld [smem:$0x3FAC]  }
0x2a: {  	p0 =	seq.s32 s5, $0x0;
	s5 =	sld [smem:$0x3FAD]  }
0x2b: {  	s6 =	sld [smem:$0x3FAE]  }
0x2c: {  	s7 =	sld [smem:$0x3FAF]  }
0x2d: {  	s3 =	simm.s32 $0x108;
	s8 =	sld [smem:$0x3FB0]  }
0x2e: {  	s3 =	simm.s32 @!p0 $0x1082;
	s9 =	sld [smem:$0x3FB1]  }
0x2f: {  	lr =	sadd.s32 s0, s3;
	s0 =	sld [smem:$0x3FA8]  }
0x30: {  	s3 =	sld [smem:$0x3FAB]  }
0x31: {  	[smem:$0x3FB4] =	sst s10  }
0x32: {  	s10 =	sld [smem:$0x3FB2];
	_ =	sdelay $0x3  }
0x33: {  	p0 =	seq.s32 s10, $0x1;
	s10 =	sld [smem:$0x3FB4];
	_ =	sdelay $0x3  }
0x34: {  	[smem:$0x3FB4] =	sst s10  }
0x35: {  	s10 =	sld [smem:$0x3FB3];
	_ =	sdelay $0x3  }
0x36: {  	p1 =	seq.s32 s10, $0x1;
	s10 =	sld [smem:$0x3FB4];
	_ =	sdelay $0x3  }
0x37: {  	[smem:$0x3FB4] =	sst s10  }
0x38: {  	s10 =	sld [smem:$0x3FB5]  }
0x39: {  	_ = 	snop;
	(pc) =	sbr.ind lr, $3  }
0x3a: {  	_ = 	snop  }
0x3b: {  	_ = 	snop  }
0x3c: {  	p2 =	seq.s32 s10, $0x1;
	s10 =	sld [smem:$0x3FB4]  }
0x3d: {  	_ =	shalt  }
0x3e: {  	_ =	shalt  }
0x3f: {  	_ =	shalt  }
0x40: {  	_ =	shalt  }
0x41: {  	_ =	shalt  }
0x42: {  	_ =	shalt  }
0x43: {  	_ =	shalt  }
0x44: {  	_ =	shalt  }
0x45: {  	_ =	shalt  }
0x46: {  	_ =	shalt  }
0x47: {  	_ =	shalt  }
0x48: {  	_ =	shalt  }
0x49: {  	_ =	shalt  }
0x4a: {  	_ =	shalt  }
0x4b: {  	_ =	shalt  }
0x4c: {  	_ =	shalt  }
0x4d: {  	_ =	shalt  }
0x4e: {  	_ =	shalt  }
0x4f: {  	_ =	shalt  }
0x50: {  	_ =	shalt  }
0x51: {  	_ =	shalt  }
0x52: {  	_ =	shalt  }
0x53: {  	_ =	shalt  }
0x54: {  	_ =	shalt  }
0x55: {  	_ =	shalt  }
0x56: {  	_ =	shalt  }
0x57: {  	_ =	shalt  }
0x58: {  	_ =	shalt  }
0x59: {  	_ =	shalt  }
0x5a: {  	_ =	shalt  }
0x5b: {  	_ =	shalt  }
0x5c: {  	_ =	shalt  }
0x5d: {  	_ =	shalt  }
0x5e: {  	_ =	shalt  }
0x5f: {  	_ =	shalt  }
0x60: {  	_ =	shalt  }
0x61: {  	_ =	shalt  }
0x62: {  	_ =	shalt  }
0x63: {  	_ =	shalt  }
0x64: {  	_ =	shalt  }
0x65: {  	_ =	shalt  }
0x66: {  	_ =	shalt  }
0x67: {  	_ =	shalt  }
0x68: {  	_ =	shalt  }
0x69: {  	_ =	shalt  }
0x6a: {  	_ =	shalt  }
0x6b: {  	_ =	shalt  }
0x6c: {  	_ =	shalt  }
0x6d: {  	_ =	shalt  }
0x6e: {  	_ =	shalt  }
0x6f: {  	_ =	shalt  }
0x70: {  	_ =	shalt  }
0x71: {  	_ =	shalt  }
0x72: {  	_ =	shalt  }
0x73: {  	_ =	shalt  }
0x74: {  	_ =	shalt  }
0x75: {  	_ =	shalt  }
0x76: {  	_ =	shalt  }
0x77: {  	_ =	shalt  }
0x78: {  	_ =	shalt  }
0x79: {  	_ =	shalt  }
0x7a: {  	_ =	shalt  }
0x7b: {  	_ =	shalt  }
0x7c: {  	_ =	shalt  }
0x7d: {  	_ =	shalt  }
0x7e: {  	_ =	shalt  }
0x7f: {  	_ =	shalt  }
0x80: {  	_ =	shalt  }
0x81: {  	_ =	shalt  }
0x82: {  	_ =	shalt  }
0x83: {  	_ =	shalt  }
0x84: {  	_ =	shalt  }
0x85: {  	_ =	shalt  }
0x86: {  	_ =	shalt  }
0x87: {  	_ =	shalt  }
.Lfunc_end0:
.L_simem_size_0:
called_computation.1_lowered:
.L_overlay_start_0:
0x88: {  	s2 =	sld [smem:$0x3FD9]  }
0x89: {  	s3 =	sld [smem:$0x3FFE];
	_ =	sdelay $0x1  }
0x8a: {  	s1 =	srdreg.scid  }
0x8b: {  	s0 =	sand.u32 $0x1, s1  }
0x8c: {  	s16 =	sshll.u32 s0, $0xA;
	s2 =	sadd.s32 s3, s2  }
0x8d: {  	s2 =	sadd.s32 s2, s16  }
0x8e: {  	[smem:$0x3FC0] =	sst s2  }
0x8f: {  	_ = 	snop  }
0x90: {  	(tm) =	ssettm $0x1  }
0x91: {  	s17 =	sld [smem:$0x3FFB];
	_ =	sdelay $0x3  }
0x92: {  	_ =	strace s17  }
0x93: {  	s2 =	sld [smem:$0x3FFC];
	_ =	sdelay $0x3  }
0x94: {  	_ =	strace s2  }
0x95: {  	s2 =	sld [smem:$0x3FFD];
	_ =	sdelay $0x3  }
0x96: {  	_ =	strace s2  }
0x97: {  	_ =	strace $0x8FFFFFFF  }
0x98: {  	s18 =	sld [smem:$0x3FDB];
	_ =	sdelay $0x1  }
0x99: {  	s19 =	simm.s32 $_scs_section_size  }
0x9a: {  	s4 =	simm.s32 $_size__tile_overlayer_lowered;
	s5 =	simm.s32 $_tile_overlayer_lowered  }
0x9b: {  	s22 =	simm.s32 $0x1BFF;
	s21 =	sshll.u32 s5, $0x1;
	s2 =	sadd.s32 s19, s18  }
0x9c: {  	s6 =	simm.s32 $0x0;
	s20 =	sshll.u32 s4, $0x1;
	s4 =	sadd.s32 s21, s2  }
0x9d: {  	[timem:s6], [sflag:s22] =	dma.local [hbm:s4], s20  }
0x9e: {  	_ =	swait.ge [sflag:s22], s20  }
0x9f: {  	s3 =	ssub.s32 $0x0, s20;
	[sflag:s22] =	ssyncset.done $0x0  }
0xa0: {  	[sflag:s22] =	ssyncadd.s32 s3;
	_ =	sdelay $0x1  }
0xa1: {  	s23 =	simm.s32 $0x1B8B  }
0xa2: {  	_ =	swait.ge [sflag:s23], $0x1  }
0xa3: {  	[sflag:s23] =	ssyncset.done $0x0  }
0xa4: {  	s25 =	simm.s32 $0x1B8E;
	s24 =	sld [smem:$0x3FFE];
	[sflag:s23] =	ssyncadd.s32 $0xFFFFFFFF  }
0xa5: {  	s26 =	simm.s32 $execute0_lowered;
	[smem:$0x3FD2] =	sst s25  }
0xa6: {  	s4 =	sshll.u32 s26, $0x1;
	_ =	strace $0x80000049;
	[dreg:$0x1] =	wrdreg $0xFFFFFFFF  }
0xa7: {  	s28 =	simm.s32 $_size_execute0_lowered;
	s2 =	sadd.s32 s2, s4;
	[dreg:$0x0] =	wrdreg $0x0  }
0xa8: {  	s4 =	sshll.u32 s28, $0x1;
	[dreg:$0x2] =	wrdreg s2  }
0xa9: {  	[dreg:$0x3] =	wrdreg s4  }
0xaa: {  	[dreg:$0x4] =	wrdreg $0xC0  }
0xab: {  	_ =	task [dreg:s6], $0x5FFFF  }
0xac: {  	[dreg:$0x1] =	wrdreg $0xFFFFFFFF  }
0xad: {  	[dreg:$0x0] =	wrdreg $0x60  }
0xae: {  	[dreg:$0x2] =	wrdreg s24  }
0xaf: {  	[dreg:$0x3] =	wrdreg $0x9  }
0xb0: {  	_ =	task.clear_ibuf [dreg:s6], $0x4FFFF;
	_ =	strace $0x90000049  }
0xb1: {  	s29 =	simm.s32 $0x9;
	_ =	strace $0x8000004B  }
0xb2: {  	_ =	swait.ge [sflag:s29], $0x1  }
0xb3: {  	[sflag:s29] =	ssyncadd.s32 $0xFFFFFFFF  }
0xb4: {  	_ =	strace $0x9000004B  }
0xb5: {  	_ =	sfence  }
0xb6: {  	s30 =	sld [smem:$0x0];
	_ =	sdelay $0x2  }
0xb7: {  	s31 =	sshll.u32 s1, $0xD;
	s1 =	sshrl.u32 s1, $0x2  }
0xb8: {  	s3 =	sand.u32 $0x4000, s31;
	s1 =	sadd.s32 s1, s30  }
0xb9: {  	s0 =	sor.u32 s3, s0;
	s1 =	sshll.u32 s1, $0x11  }
0xba: {  	s0 =	sor.u32 s1, s0  }
0xbb: {  	s0 =	sadd.s32 $0x8F2B, s0  }
0xbc: {  	[sflag:s0] =	ssyncadd.remote.s32 $0x1  }
0xbd: {  	_ =	sfence.sel $0xFFFF  }
0xbe: {  	[dreg:$0x0] =	wrdreg $0xFFFFFFFF;
	(pc) =	sbr.abs _section_cstart, $3  }
0xbf: {  	[dreg:$0x1] =	wrdreg $0xFFFFFFFF  }
0xc0: {  	_ =	task.clear_ibuf [dreg:s6], $0x2FFFF;
	_ =	strace $0x9FFFFFFF  }
0xc1: {  	(tm) =	ssettm $0x7FFFFFFF  }
tec
execute0_lowered:
.L_overlay_start_1:
0x0: {  	(tag) =	ssettag $0x1  }
0x1: {  	s5 =	rddreg [dreg:$0x0]  }
0x2: {  	s0 =	rddreg [dreg:$0x1];
	s2 =	simm.s32 $0x0;
	s3 =	srdreg.scid  }
0x3: {  	s1 =	stileid.u32;
	s11 =	simm.s32 $0x80;
	s12 =	simm.s32 $0x880  }
0x4: {  	s13 =	simm.s32 $0x1080;
	s14 =	simm.s32 $0x1880;
	s15 =	simm.s32 $0x2080  }
0x5: {  	s16 =	simm.s32 $0x2880;
	s17 =	simm.s32 $0x3080;
	s18 =	simm.s32 $0x3880  }
0x6: {  	s19 =	simm.s32 $0x4080;
	s20 =	simm.s32 $0x4880;
	s21 =	simm.s32 $0x5080  }
0x7: {  	s22 =	simm.s32 $0x5880;
	s23 =	simm.s32 $0x6080;
	s24 =	simm.s32 $0x6880  }
0x8: {  	s25 =	simm.s32 $0x7080;
	s26 =	simm.s32 $0x7880;
	s28 =	simm.s32 $0x1  }
0x9: {  	[smem:$0x7FF] =	sst s2;
	s4 =	sand.u32 $0x1, s3;
	s6 =	sshll.u32 s1, $0x7  }
0xa: {  	s3 =	sadd.s32 $0xE00, s5;
	s7 =	sshll.u32 s4, $0x6;
	s4 =	ssub.s32 $0x2, s4  }
0xb: {  	_ =	strace $0x8000004A;
	s6 =	sor.u32 s7, s6;
	s8 =	sshrl.u32 s4, $0x1  }
0xc: {  	s7 =	sshrl.u32 s6, $0x3;
	s6 =	sshll.u32 s6, $0x6;
	s10 =	ssub.s32 s4, s8  }
0xd: {  	v2 =	vlaneseq.u32;
	s7 =	sadd.s32 s7, s5;
	s9 =	sadd.s32 s6, s5;
	s5 =	sadd.s32 $0xF00, s5  }
0xe: {  	vm0 =	vmmov $0xffff;
	v1 =	vshrl.u32 v2, $0x3;
	s4 =	sadd.s32 $0x91200, s7;
	s6 =	sadd.s32 $0x91600, s9;
	s7 =	sadd.s32 $0x91400, s7  }
0xf: {  	v0 =	vand.u32 $0x7, v2;
	v2 =	vor.u32 $0x8, v2;
	v1 =	vmul.u32 $0x8, v1;
	s8 =	sadd.s32 $0xB1600, s9;
	s9 =	smax.u32 s10, $0x1;
	s10 =	simm.s32 $0x2  }
.LBB2_1:
0x10: {  	[tilespmem:s2], [sflag:$0x2] =	stream.linear.gather [hbm4b:s4+s2], $0x40, $0x38;
	[tilespmem:$0x8080] =	vst v63  }
0x11: {  	_ =	swait.ge [sflag:s10], $0x40  }
0x12: {  	[sflag:s10] =	ssyncset.done $0x0  }
0x13: {  	[sflag:s10] =	ssyncadd.s32 $0xFFFFFFC0  }
0x14: {  	v3 =	vld [tilespmem:$0x0];
	_ =	sdelay $0x4  }
0x15: {  	v4 =	vshll.u32 v3, $0x2  }
0x16: {  	v3 =	vand.u32 $0x7, v3;
	v4 =	vand.u32 $0xFFFFFFE0, v4  }
0x17: {  	v3 =	vor.u32 v3, v4  }
0x18: {  	v4 =	vperm.xlane v3, v0;
	_ =	sdelay $0x1  }
0x19: {  	v4 =	vadd.s32 v1, v4;
	_ =	sdelay $0x1  }
0x1a: {  	v3 =	vperm.xlane v3, v2;
	_ =	sdelay $0x1  }
0x1b: {  	v3 =	vadd.s32 v1, v3  }
0x1c: {  	[tilespmem:s11], [sflag:$0x1] =	stream.indirect_vreg.gather [hbm4b:s3+s2], $0x80, v4, vm0, $0xb8;
	[tilespmem:$0x8080] =	vst v63  }
0x1d: {  	_ = 	snop  }
0x1e: {  	[tilespmem:s12], [sflag:$0x1] =	stream.indirect_vreg.gather [hbm4b:s5+s2], $0x80, v4, vm0, $0xb8;
	[tilespmem:$0x8080] =	vst v63  }
0x1f: {  	_ = 	snop  }
0x20: {  	[tilespmem:s13], [sflag:$0x1] =	stream.indirect_vreg.gather [hbm4b:s3+s2], $0x80, v3, vm0, $0xb8;
	[tilespmem:$0x8080] =	vst v63  }
0x21: {  	_ = 	snop  }
0x22: {  	[tilespmem:s14], [sflag:$0x1] =	stream.indirect_vreg.gather [hbm4b:s5+s2], $0x80, v3, vm0, $0xb8;
	[tilespmem:$0x8080] =	vst v63  }
0x23: {  	v3 =	vld [tilespmem:$0x10];
	_ =	sdelay $0x4  }
0x24: {  	v57 =	vshll.u32 v3, $0x2  }
0x25: {  	v3 =	vand.u32 $0x7, v3;
	v4 =	vand.u32 $0xFFFFFFE0, v57  }
0x26: {  	v3 =	vor.u32 v3, v4  }
0x27: {  	v4 =	vperm.xlane v3, v0;
	_ =	sdelay $0x1  }
0x28: {  	v4 =	vadd.s32 v1, v4;
	_ =	sdelay $0x1  }
0x29: {  	v3 =	vperm.xlane v3, v2;
	_ =	sdelay $0x1  }
0x2a: {  	v3 =	vadd.s32 v1, v3  }
0x2b: {  	[tilespmem:s15], [sflag:$0x1] =	stream.indirect_vreg.gather [hbm4b:s3+s2], $0x80, v4, vm0, $0xb8;
	[tilespmem:$0x8080] =	vst v63  }
0x2c: {  	_ = 	snop  }
0x2d: {  	[tilespmem:s16], [sflag:$0x1] =	stream.indirect_vreg.gather [hbm4b:s5+s2], $0x80, v4, vm0, $0xb8;
	[tilespmem:$0x8080] =	vst v63  }
0x2e: {  	_ = 	snop  }
0x2f: {  	[tilespmem:s17], [sflag:$0x1] =	stream.indirect_vreg.gather [hbm4b:s3+s2], $0x80, v3, vm0, $0xb8;
	[tilespmem:$0x8080] =	vst v63  }
0x30: {  	_ = 	snop  }
0x31: {  	[tilespmem:s18], [sflag:$0x1] =	stream.indirect_vreg.gather [hbm4b:s5+s2], $0x80, v3, vm0, $0xb8;
	[tilespmem:$0x8080] =	vst v63  }
0x32: {  	v3 =	vld [tilespmem:$0x20];
	_ =	sdelay $0x4  }
0x33: {  	v58 =	vshll.u32 v3, $0x2  }
0x34: {  	v3 =	vand.u32 $0x7, v3;
	v4 =	vand.u32 $0xFFFFFFE0, v58  }
0x35: {  	v3 =	vor.u32 v3, v4  }
0x36: {  	v4 =	vperm.xlane v3, v0;
	_ =	sdelay $0x1  }
0x37: {  	v4 =	vadd.s32 v1, v4;
	_ =	sdelay $0x1  }
0x38: {  	v3 =	vperm.xlane v3, v2;
	_ =	sdelay $0x1  }
0x39: {  	v3 =	vadd.s32 v1, v3  }
0x3a: {  	[tilespmem:s19], [sflag:$0x1] =	stream.indirect_vreg.gather [hbm4b:s3+s2], $0x80, v4, vm0, $0xb8;
	[tilespmem:$0x8080] =	vst v63  }
0x3b: {  	_ = 	snop  }
0x3c: {  	[tilespmem:s20], [sflag:$0x1] =	stream.indirect_vreg.gather [hbm4b:s5+s2], $0x80, v4, vm0, $0xb8;
	[tilespmem:$0x8080] =	vst v63  }
0x3d: {  	_ = 	snop  }
0x3e: {  	[tilespmem:s21], [sflag:$0x1] =	stream.indirect_vreg.gather [hbm4b:s3+s2], $0x80, v3, vm0, $0xb8;
	[tilespmem:$0x8080] =	vst v63  }
0x3f: {  	_ = 	snop  }
0x40: {  	[tilespmem:s22], [sflag:$0x1] =	stream.indirect_vreg.gather [hbm4b:s5+s2], $0x80, v3, vm0, $0xb8;
	[tilespmem:$0x8080] =	vst v63  }
0x41: {  	v3 =	vld [tilespmem:$0x30];
	_ =	sdelay $0x4  }
0x42: {  	v59 =	vshll.u32 v3, $0x2  }
0x43: {  	v3 =	vand.u32 $0x7, v3;
	v4 =	vand.u32 $0xFFFFFFE0, v59  }
0x44: {  	v3 =	vor.u32 v3, v4  }
0x45: {  	v4 =	vperm.xlane v3, v0;
	_ =	sdelay $0x1  }
0x46: {  	v4 =	vadd.s32 v1, v4;
	_ =	sdelay $0x1  }
0x47: {  	v3 =	vperm.xlane v3, v2;
	_ =	sdelay $0x1  }
0x48: {  	v3 =	vadd.s32 v1, v3  }
0x49: {  	[tilespmem:s23], [sflag:$0x1] =	stream.indirect_vreg.gather [hbm4b:s3+s2], $0x80, v4, vm0, $0xb8;
	[tilespmem:$0x8080] =	vst v63  }
0x4a: {  	_ = 	snop  }
0x4b: {  	[tilespmem:s24], [sflag:$0x1] =	stream.indirect_vreg.gather [hbm4b:s5+s2], $0x80, v4, vm0, $0xb8;
	[tilespmem:$0x8080] =	vst v63  }
0x4c: {  	_ = 	snop  }
0x4d: {  	[tilespmem:s25], [sflag:$0x1] =	stream.indirect_vreg.gather [hbm4b:s3+s2], $0x80, v3, vm0, $0xb8;
	[tilespmem:$0x8080] =	vst v63  }
0x4e: {  	_ = 	snop  }
0x4f: {  	[tilespmem:s26], [sflag:$0x1] =	stream.indirect_vreg.gather [hbm4b:s5+s2], $0x80, v3, vm0, $0xb8;
	[tilespmem:$0x8080] =	vst v63  }
0x50: {  	_ =	swait.ge [sflag:s28], $0x8000  }
0x51: {  	[sflag:s28] =	ssyncset.done $0x0  }
0x52: {  	[sflag:s28] =	ssyncadd.s32 $0xFFFF8000  }
0x53: {  	[hbm4b:s6+s2] =	stream.linear.scatter [tilespmem:s11], [sflag:$0x2], $0x8000, $0x38;
	[tilespmem:$0x8080] =	vst v63  }
0x54: {  	_ =	swait.ge [sflag:s10], $0x8000  }
0x55: {  	[sflag:s10] =	ssyncset.done $0x0  }
0x56: {  	[sflag:s10] =	ssyncadd.s32 $0xFFFF8000  }
0x57: {  	[tilespmem:s2], [sflag:$0x2] =	stream.linear.gather [hbm4b:s7+s2], $0x40, $0x38;
	[tilespmem:$0x8080] =	vst v63  }
0x58: {  	_ =	swait.ge [sflag:s10], $0x40  }
0x59: {  	[sflag:s10] =	ssyncset.done $0x0  }
0x5a: {  	[sflag:s10] =	ssyncadd.s32 $0xFFFFFFC0  }
0x5b: {  	v3 =	vld [tilespmem:$0x0];
	_ =	sdelay $0x4  }
0x5c: {  	v60 =	vshll.u32 v3, $0x2  }
0x5d: {  	v3 =	vand.u32 $0x7, v3;
	v4 =	vand.u32 $0xFFFFFFE0, v60  }
0x5e: {  	v3 =	vor.u32 v3, v4  }
0x5f: {  	v4 =	vperm.xlane v3, v0;
	_ =	sdelay $0x1  }
0x60: {  	v4 =	vadd.s32 v1, v4;
	_ =	sdelay $0x1  }
0x61: {  	v3 =	vperm.xlane v3, v2;
	_ =	sdelay $0x1  }
0x62: {  	v3 =	vadd.s32 v1, v3  }
0x63: {  	[tilespmem:s11], [sflag:$0x1] =	stream.indirect_vreg.gather [hbm4b:s3+s2], $0x80, v4, vm0, $0xb8;
	[tilespmem:$0x8080] =	vst v63  }
0x64: {  	_ = 	snop  }
0x65: {  	[tilespmem:s12], [sflag:$0x1] =	stream.indirect_vreg.gather [hbm4b:s5+s2], $0x80, v4, vm0, $0xb8;
	[tilespmem:$0x8080] =	vst v63  }
0x66: {  	_ = 	snop  }
0x67: {  	[tilespmem:s13], [sflag:$0x1] =	stream.indirect_vreg.gather [hbm4b:s3+s2], $0x80, v3, vm0, $0xb8;
	[tilespmem:$0x8080] =	vst v63  }
0x68: {  	_ = 	snop  }
0x69: {  	[tilespmem:s14], [sflag:$0x1] =	stream.indirect_vreg.gather [hbm4b:s5+s2], $0x80, v3, vm0, $0xb8;
	[tilespmem:$0x8080] =	vst v63  }
0x6a: {  	v3 =	vld [tilespmem:$0x10];
	_ =	sdelay $0x4  }
0x6b: {  	v61 =	vshll.u32 v3, $0x2  }
0x6c: {  	v3 =	vand.u32 $0x7, v3;
	v4 =	vand.u32 $0xFFFFFFE0, v61  }
0x6d: {  	v3 =	vor.u32 v3, v4  }
0x6e: {  	v4 =	vperm.xlane v3, v0;
	_ =	sdelay $0x1  }
0x6f: {  	v4 =	vadd.s32 v1, v4;
	_ =	sdelay $0x1  }
0x70: {  	v3 =	vperm.xlane v3, v2;
	_ =	sdelay $0x1  }
0x71: {  	v3 =	vadd.s32 v1, v3  }
0x72: {  	[tilespmem:s15], [sflag:$0x1] =	stream.indirect_vreg.gather [hbm4b:s3+s2], $0x80, v4, vm0, $0xb8;
	[tilespmem:$0x8080] =	vst v63  }
0x73: {  	_ = 	snop  }
0x74: {  	[tilespmem:s16], [sflag:$0x1] =	stream.indirect_vreg.gather [hbm4b:s5+s2], $0x80, v4, vm0, $0xb8;
	[tilespmem:$0x8080] =	vst v63  }
0x75: {  	_ = 	snop  }
0x76: {  	[tilespmem:s17], [sflag:$0x1] =	stream.indirect_vreg.gather [hbm4b:s3+s2], $0x80, v3, vm0, $0xb8;
	[tilespmem:$0x8080] =	vst v63  }
0x77: {  	_ = 	snop  }
0x78: {  	[tilespmem:s18], [sflag:$0x1] =	stream.indirect_vreg.gather [hbm4b:s5+s2], $0x80, v3, vm0, $0xb8;
	[tilespmem:$0x8080] =	vst v63  }
0x79: {  	v3 =	vld [tilespmem:$0x20];
	_ =	sdelay $0x4  }
0x7a: {  	v62 =	vshll.u32 v3, $0x2  }
0x7b: {  	v3 =	vand.u32 $0x7, v3;
	v4 =	vand.u32 $0xFFFFFFE0, v62  }
0x7c: {  	v3 =	vor.u32 v3, v4  }
0x7d: {  	v4 =	vperm.xlane v3, v0;
	_ =	sdelay $0x1  }
0x7e: {  	v4 =	vadd.s32 v1, v4;
	_ =	sdelay $0x1  }
0x7f: {  	v3 =	vperm.xlane v3, v2;
	_ =	sdelay $0x1  }
0x80: {  	v3 =	vadd.s32 v1, v3  }
0x81: {  	[tilespmem:s19], [sflag:$0x1] =	stream.indirect_vreg.gather [hbm4b:s3+s2], $0x80, v4, vm0, $0xb8;
	[tilespmem:$0x8080] =	vst v63  }
0x82: {  	_ = 	snop  }
0x83: {  	[tilespmem:s20], [sflag:$0x1] =	stream.indirect_vreg.gather [hbm4b:s5+s2], $0x80, v4, vm0, $0xb8;
	[tilespmem:$0x8080] =	vst v63  }
0x84: {  	_ = 	snop  }
0x85: {  	[tilespmem:s21], [sflag:$0x1] =	stream.indirect_vreg.gather [hbm4b:s3+s2], $0x80, v3, vm0, $0xb8;
	[tilespmem:$0x8080] =	vst v63  }
0x86: {  	_ = 	snop  }
0x87: {  	[tilespmem:s22], [sflag:$0x1] =	stream.indirect_vreg.gather [hbm4b:s5+s2], $0x80, v3, vm0, $0xb8;
	[tilespmem:$0x8080] =	vst v63  }
0x88: {  	v3 =	vld [tilespmem:$0x30];
	_ =	sdelay $0x4  }
0x89: {  	v63 =	vshll.u32 v3, $0x2  }
0x8a: {  	v3 =	vand.u32 $0x7, v3;
	v4 =	vand.u32 $0xFFFFFFE0, v63  }
0x8b: {  	v3 =	vor.u32 v3, v4  }
0x8c: {  	v4 =	vperm.xlane v3, v0;
	_ =	sdelay $0x1  }
0x8d: {  	v4 =	vadd.s32 v1, v4;
	_ =	sdelay $0x1  }
0x8e: {  	v3 =	vperm.xlane v3, v2;
	_ =	sdelay $0x1  }
0x8f: {  	v3 =	vadd.s32 v1, v3  }
0x90: {  	[tilespmem:s23], [sflag:$0x1] =	stream.indirect_vreg.gather [hbm4b:s3+s2], $0x80, v4, vm0, $0xb8;
	[tilespmem:$0x8080] =	vst v63  }
0x91: {  	_ = 	snop  }
0x92: {  	[tilespmem:s24], [sflag:$0x1] =	stream.indirect_vreg.gather [hbm4b:s5+s2], $0x80, v4, vm0, $0xb8;
	[tilespmem:$0x8080] =	vst v63  }
0x93: {  	_ = 	snop  }
0x94: {  	[tilespmem:s25], [sflag:$0x1] =	stream.indirect_vreg.gather [hbm4b:s3+s2], $0x80, v3, vm0, $0xb8;
	[tilespmem:$0x8080] =	vst v63  }
0x95: {  	_ = 	snop  }
0x96: {  	[tilespmem:s26], [sflag:$0x1] =	stream.indirect_vreg.gather [hbm4b:s5+s2], $0x80, v3, vm0, $0xb8;
	[tilespmem:$0x8080] =	vst v63  }
0x97: {  	_ =	swait.ge [sflag:s28], $0x8000  }
0x98: {  	p0 =	sne.s32 s9, $0x1;
	[sflag:s28] =	ssyncset.done $0x0  }
.Ltmp0:
0x99: {  	[sflag:s28] =	ssyncadd.s32 $0xFFFF8000;
	(pc) =	sbr.rel @p0 .LBB2_1-.Ltmp0, $4  }
0x9a: {  	[hbm4b:s8+s2] =	stream.linear.scatter [tilespmem:s11], [sflag:$0x2], $0x8000, $0x38;
	[tilespmem:$0x8080] =	vst v63  }
0x9b: {  	_ =	swait.ge [sflag:s10], $0x8000  }
0x9c: {  	[sflag:s10] =	ssyncset.done $0x0  }
0x9d: {  	s9 =	sadd.s32 $0xFFFFFFFF, s9;
	[sflag:s10] =	ssyncadd.s32 $0xFFFF8000  }
0x9e: {  	_ =	sfence.sel $0x180000  }
0x9f: {  	[bflag:$0x0] =	sbarrier.arrive $0xFFFF  }
0xa0: {  	p0 =	sne.s32 s1, $0x0;
	_ =	strace $0x9000004A  }
0xa1: {  	s0 =	sadd.s32 @!p0 $0x100000, s0;
	[bflag:$0x2] =	sbarrier.arrive $0xFFFF  }
0xa2: {  	[sflag:s0] =	ssyncadd.tile.s32 @!p0 $0x1;
	_ =	shalt  }
.Lfunc_end2:
_tile_overlayer_lowered:
.L_overlay_start_2:
0xa3: {  	(tag) =	ssettag $0x2  }
0xa4: {  	s0 =	rddreg [dreg:$0x0];
	s2 =	stileid.u32  }
0xa5: {  	s1 =	rddreg [dreg:$0x1];
	p0 =	sne.s32 s2, $0x0  }
0xa6: {  	s3 =	rddreg [dreg:$0x2];
	[bflag:$0x3] =	sbarrier.arrive $0xFFFF;
	s2 =	simm.s32 @!p0 $0x1C02  }
0xa7: {  	[timem:s3], [sflag:s2] =	dma.local @!p0 [hbm:s0], s1  }
0xa8: {  	s0 =	simm.s32 @!p0 $0x2  }
0xa9: {  	_ =	swait.ge @!p0 [sflag:s0], s1  }
0xaa: {  	s1 =	ssub.s32 @!p0 $0x0, s1;
	[sflag:s0] =	ssyncset.done @!p0 $0x0  }
0xab: {  	[sflag:s0] =	ssyncadd.s32 @!p0 s1  }
0xac: {  	[bflag:$0x3] =	sbarrier.arrive $0xFFFF  }
0xad: {  	_ =	shalt  }

// kernel: kernel.8.cloned.1.call-start
scs
__scs_entry_jumppad:
0x0: {  	(pc) =	sbr.rel $0x88, $3  }
0x1: {  	(tag) =	ssettag $0x0;
	lr =	simm.s32 $0x1  }
0x2: {  	[smem:$0x3F99] =	sst lr;
	_ =	strace $0xD0000000  }
0x3: {  	_ = 	snop  }
0x4: {  	_ = 	snop  }
0x5: {  	_ = 	snop  }
0x6: {  	_ = 	snop  }
0x7: {  	_ = 	snop  }
__scs_overlays_trampoline_lowered:
0x8: {  	[smem:$0x3FA8] =	sst s0  }
0x9: {  	[smem:$0x3FA9] =	sst s1  }
0xa: {  	[smem:$0x3FAA] =	sst s2  }
0xb: {  	[smem:$0x3FAB] =	sst s3  }
0xc: {  	[smem:$0x3FAC] =	sst s4  }
0xd: {  	[smem:$0x3FAD] =	sst s5  }
0xe: {  	[smem:$0x3FAE] =	sst s6  }
0xf: {  	[smem:$0x3FAF] =	sst s7  }
0x10: {  	[smem:$0x3FB0] =	sst s8  }
0x11: {  	[smem:$0x3FB1] =	sst s9;
	s0 =	simm.s32 @!p0 $0x0  }
0x12: {  	s1 =	sld [smem:$0x3F97];
	s0 =	simm.s32 @p0 $0x1  }
0x13: {  	[smem:$0x3FB2] =	sst s0;
	s0 =	simm.s32 @!p1 $0x0  }
0x14: {  	s2 =	sld [smem:$0x3F96];
	s0 =	simm.s32 @p1 $0x1  }
0x15: {  	[smem:$0x3FB3] =	sst s0;
	s0 =	simm.s32 @!p2 $0x0  }
0x16: {  	s3 =	sld [smem:$0x3FDB];
	s0 =	simm.s32 @p2 $0x1  }
0x17: {  	s4 =	simm.s32 $0x1BF5;
	[smem:$0x3FB5] =	sst s0  }
0x18: {  	s0 =	sld [smem:$0x3F98];
	_ =	swait.ge [sflag:s4], $0x0  }
0x19: {  	s7 =	sld [smem:$0x3F99]  }
0x1a: {  	s8 =	sadd.s32 $0xFFFFE003, lr  }
0x1b: {  	s9 =	sadd.s32 $0xFFFFFEF7, lr;
	s5 =	simm.s32 $0xFFFFFFFF;
	p2 =	slt.u32 s8, $0xFFFFF086  }
0x1c: {  	p1 =	slt.u32 s9, $0xF7A;
	s5 =	simm.s32 @!p2 $0x0  }
0x1d: {  	s5 =	simm.s32 @p1 $0x1;
	p0 =	seq.s32 s7, s2  }
0x1e: {  	s7 =	smul.u32 @!p0 $0xF7A, s2;
	p2 =	seq.s32 @!p0 s5, $0x0  }
0x1f: {  	s9 =	smul.u32 $0xF7A, s1;
	s8 =	simm.s32 @!p0 $0x1BF5;
	p2 =	por !p2, p0  }
0x20: {  	[sflag:s8] =	ssyncset.s32 @!p0 $0xFFFFF086;
	s6 =	sadd.s32 @!p0 s3, s7;
	s7 =	simm.s32 @!p0 $0x108  }
0x21: {  	s3 =	sadd.s32 s3, s9;
	s6 =	sadd.s32 @!p0 $0x88, s6;
	s7 =	simm.s32 @p2 $0x1082  }
0x22: {  	[simem:s7], [sflag:s8] =	dma.local @!p0 [hbm:s6], $0xF7A  }
0x23: {  	s9 =	sor.u32 $0xD0000000, s2;
	s6 =	simm.s32 $0x108;
	_ =	swait.ge @!p0 [sflag:s8], $0x0  }
0x24: {  	s3 =	sadd.s32 $0x88, s3;
	s6 =	simm.s32 @!p1 $0x1082;
	[sflag:s4] =	ssyncset.s32 $0xFFFFF086  }
0x25: {  	[simem:s6], [sflag:s4] =	dma.local [hbm:s3], $0xF7A  }
0x26: {  	[smem:$0x3F99] =	sst s1;
	(tag) =	ssettag s2;
	_ =	strace s9  }
0x27: {  	s1 =	sld [smem:$0x3FA9]  }
0x28: {  	s2 =	sld [smem:$0x3FAA]  }
0x29: {  	s4 =	sld [smem:$0x3FAC]  }
0x2a: {  	p0 =	seq.s32 s5, $0x0;
	s5 =	sld [smem:$0x3FAD]  }
0x2b: {  	s6 =	sld [smem:$0x3FAE]  }
0x2c: {  	s7 =	sld [smem:$0x3FAF]  }
0x2d: {  	s3 =	simm.s32 $0x108;
	s8 =	sld [smem:$0x3FB0]  }
0x2e: {  	s3 =	simm.s32 @!p0 $0x1082;
	s9 =	sld [smem:$0x3FB1]  }
0x2f: {  	lr =	sadd.s32 s0, s3;
	s0 =	sld [smem:$0x3FA8]  }
0x30: {  	s3 =	sld [smem:$0x3FAB]  }
0x31: {  	[smem:$0x3FB4] =	sst s10  }
0x32: {  	s10 =	sld [smem:$0x3FB2];
	_ =	sdelay $0x3  }
0x33: {  	p0 =	seq.s32 s10, $0x1;
	s10 =	sld [smem:$0x3FB4];
	_ =	sdelay $0x3  }
0x34: {  	[smem:$0x3FB4] =	sst s10  }
0x35: {  	s10 =	sld [smem:$0x3FB3];
	_ =	sdelay $0x3  }
0x36: {  	p1 =	seq.s32 s10, $0x1;
	s10 =	sld [smem:$0x3FB4];
	_ =	sdelay $0x3  }
0x37: {  	[smem:$0x3FB4] =	sst s10  }
0x38: {  	s10 =	sld [smem:$0x3FB5]  }
0x39: {  	_ = 	snop;
	(pc) =	sbr.ind lr, $3  }
0x3a: {  	_ = 	snop  }
0x3b: {  	_ = 	snop  }
0x3c: {  	p2 =	seq.s32 s10, $0x1;
	s10 =	sld [smem:$0x3FB4]  }
0x3d: {  	_ =	shalt  }
0x3e: {  	_ =	shalt  }
0x3f: {  	_ =	shalt  }
0x40: {  	_ =	shalt  }
0x41: {  	_ =	shalt  }
0x42: {  	_ =	shalt  }
0x43: {  	_ =	shalt  }
0x44: {  	_ =	shalt  }
0x45: {  	_ =	shalt  }
0x46: {  	_ =	shalt  }
0x47: {  	_ =	shalt  }
0x48: {  	_ =	shalt  }
0x49: {  	_ =	shalt  }
0x4a: {  	_ =	shalt  }
0x4b: {  	_ =	shalt  }
0x4c: {  	_ =	shalt  }
0x4d: {  	_ =	shalt  }
0x4e: {  	_ =	shalt  }
0x4f: {  	_ =	shalt  }
0x50: {  	_ =	shalt  }
0x51: {  	_ =	shalt  }
0x52: {  	_ =	shalt  }
0x53: {  	_ =	shalt  }
0x54: {  	_ =	shalt  }
0x55: {  	_ =	shalt  }
0x56: {  	_ =	shalt  }
0x57: {  	_ =	shalt  }
0x58: {  	_ =	shalt  }
0x59: {  	_ =	shalt  }
0x5a: {  	_ =	shalt  }
0x5b: {  	_ =	shalt  }
0x5c: {  	_ =	shalt  }
0x5d: {  	_ =	shalt  }
0x5e: {  	_ =	shalt  }
0x5f: {  	_ =	shalt  }
0x60: {  	_ =	shalt  }
0x61: {  	_ =	shalt  }
0x62: {  	_ =	shalt  }
0x63: {  	_ =	shalt  }
0x64: {  	_ =	shalt  }
0x65: {  	_ =	shalt  }
0x66: {  	_ =	shalt  }
0x67: {  	_ =	shalt  }
0x68: {  	_ =	shalt  }
0x69: {  	_ =	shalt  }
0x6a: {  	_ =	shalt  }
0x6b: {  	_ =	shalt  }
0x6c: {  	_ =	shalt  }
0x6d: {  	_ =	shalt  }
0x6e: {  	_ =	shalt  }
0x6f: {  	_ =	shalt  }
0x70: {  	_ =	shalt  }
0x71: {  	_ =	shalt  }
0x72: {  	_ =	shalt  }
0x73: {  	_ =	shalt  }
0x74: {  	_ =	shalt  }
0x75: {  	_ =	shalt  }
0x76: {  	_ =	shalt  }
0x77: {  	_ =	shalt  }
0x78: {  	_ =	shalt  }
0x79: {  	_ =	shalt  }
0x7a: {  	_ =	shalt  }
0x7b: {  	_ =	shalt  }
0x7c: {  	_ =	shalt  }
0x7d: {  	_ =	shalt  }
0x7e: {  	_ =	shalt  }
0x7f: {  	_ =	shalt  }
0x80: {  	_ =	shalt  }
0x81: {  	_ =	shalt  }
0x82: {  	_ =	shalt  }
0x83: {  	_ =	shalt  }
0x84: {  	_ =	shalt  }
0x85: {  	_ =	shalt  }
0x86: {  	_ =	shalt  }
0x87: {  	_ =	shalt  }
.Lfunc_end0:
.L_simem_size_0:
called_computation_lowered:
.L_overlay_start_0:
0x88: {  	s2 =	sld [smem:$0x3FD9]  }
0x89: {  	s3 =	sld [smem:$0x3FFE];
	_ =	sdelay $0x1  }
0x8a: {  	s1 =	srdreg.scid  }
0x8b: {  	s0 =	sand.u32 $0x1, s1  }
0x8c: {  	s17 =	sshll.u32 s0, $0xA;
	s2 =	sadd.s32 s3, s2  }
0x8d: {  	s2 =	sadd.s32 s2, s17  }
0x8e: {  	[smem:$0x3FC0] =	sst s2  }
0x8f: {  	_ = 	snop  }
0x90: {  	s2 =	sld [smem:$0x3FD0];
	(tm) =	ssettm $0x1  }
0x91: {  	s18 =	sld [smem:$0x3FFB];
	_ =	sdelay $0x3  }
0x92: {  	_ =	strace s18  }
0x93: {  	s3 =	sld [smem:$0x3FFC];
	_ =	sdelay $0x3  }
0x94: {  	_ =	strace s3  }
0x95: {  	s3 =	sld [smem:$0x3FFD];
	_ =	sdelay $0x3  }
0x96: {  	_ =	strace s3  }
0x97: {  	_ =	strace $0x8FFFFFFF  }
0x98: {  	s19 =	sld [smem:$0x3FDB];
	_ =	sdelay $0x1  }
0x99: {  	s4 =	simm.s32 $_scs_section_size  }
0x9a: {  	s5 =	simm.s32 $_size__tile_overlayer_lowered;
	s6 =	simm.s32 $_tile_overlayer_lowered  }
0x9b: {  	s22 =	simm.s32 $0x1BFF;
	s21 =	sshll.u32 s6, $0x1;
	s3 =	sadd.s32 s4, s19  }
0x9c: {  	s7 =	simm.s32 $0x0;
	s20 =	sshll.u32 s5, $0x1;
	s5 =	sadd.s32 s21, s3  }
0x9d: {  	[timem:s7], [sflag:s22] =	dma.local [hbm:s5], s20  }
0x9e: {  	_ =	swait.ge [sflag:s22], s20  }
0x9f: {  	s4 =	ssub.s32 $0x0, s20;
	[sflag:s22] =	ssyncset.done $0x0  }
0xa0: {  	[sflag:s22] =	ssyncadd.s32 s4;
	_ =	sdelay $0x1  }
0xa1: {  	s23 =	simm.s32 $0x1B8B  }
0xa2: {  	_ =	swait.ge [sflag:s23], $0x1  }
0xa3: {  	[sflag:s23] =	ssyncset.done $0x0  }
0xa4: {  	s25 =	simm.s32 $0x1B8E;
	s24 =	sld [smem:$0x3FFE];
	[sflag:s23] =	ssyncadd.s32 $0xFFFFFFFF  }
0xa5: {  	s26 =	simm.s32 $execute0_lowered;
	[smem:$0x3FD2] =	sst s25  }
0xa6: {  	s5 =	sshll.u32 s26, $0x1;
	_ =	strace $0x80000046;
	[dreg:$0x1] =	wrdreg $0xFFFFFFFF  }
0xa7: {  	s28 =	simm.s32 $_size_execute0_lowered;
	s3 =	sadd.s32 s3, s5;
	[dreg:$0x0] =	wrdreg $0x0  }
0xa8: {  	s5 =	sshll.u32 s28, $0x1;
	[dreg:$0x2] =	wrdreg s3  }
0xa9: {  	[dreg:$0x3] =	wrdreg s5  }
0xaa: {  	[dreg:$0x4] =	wrdreg $0xC0  }
0xab: {  	_ =	task [dreg:s7], $0x5FFFF  }
0xac: {  	[dreg:$0x1] =	wrdreg $0xFFFFFFFF  }
0xad: {  	[dreg:$0x0] =	wrdreg $0x60  }
0xae: {  	[dreg:$0x2] =	wrdreg s2  }
0xaf: {  	[dreg:$0x3] =	wrdreg s24  }
0xb0: {  	[dreg:$0x4] =	wrdreg $0x9  }
0xb1: {  	_ =	task.clear_ibuf [dreg:s7], $0x5FFFF;
	_ =	strace $0x90000046  }
0xb2: {  	s29 =	simm.s32 $0x9;
	_ =	strace $0x80000048  }
0xb3: {  	_ =	swait.ge [sflag:s29], $0x1  }
0xb4: {  	[sflag:s29] =	ssyncadd.s32 $0xFFFFFFFF  }
0xb5: {  	_ =	strace $0x90000048  }
0xb6: {  	_ =	sfence  }
0xb7: {  	s30 =	sld [smem:$0x0];
	_ =	sdelay $0x2  }
0xb8: {  	s31 =	sshll.u32 s1, $0xD;
	s1 =	sshrl.u32 s1, $0x2  }
0xb9: {  	s3 =	sand.u32 $0x4000, s31;
	s1 =	sadd.s32 s1, s30  }
0xba: {  	s0 =	sor.u32 s3, s0;
	s1 =	sshll.u32 s1, $0x11  }
0xbb: {  	s0 =	sor.u32 s1, s0  }
0xbc: {  	s0 =	sadd.s32 $0x8F2B, s0  }
0xbd: {  	[sflag:s0] =	ssyncadd.remote.s32 $0x1  }
0xbe: {  	_ =	sfence.sel $0xFFFF  }
0xbf: {  	[dreg:$0x0] =	wrdreg $0xFFFFFFFF;
	(pc) =	sbr.abs _section_cstart, $3  }
0xc0: {  	[dreg:$0x1] =	wrdreg $0xFFFFFFFF  }
0xc1: {  	_ =	task.clear_ibuf [dreg:s7], $0x2FFFF;
	_ =	strace $0x9FFFFFFF  }
0xc2: {  	(tm) =	ssettm $0x7FFFFFFF  }
0xc3: {  	_ =	shalt  }
tec
execute0_lowered:
.L_overlay_start_1:
0x0: {  	(tag) =	ssettag $0x1  }
0x1: {  	s1 =	srdreg.scid  }
0x2: {  	s4 =	rddreg [dreg:$0x0];
	s0 =	stileid.u32  }
0x3: {  	s6 =	rddreg [dreg:$0x1];
	s2 =	simm.s32 $0x0;
	s10 =	simm.s32 $0x2  }
0x4: {  	s11 =	simm.s32 $0x880;
	s12 =	simm.s32 $0x1080;
	s13 =	simm.s32 $0x1880  }
0x5: {  	s14 =	simm.s32 $0x2080;
	s15 =	simm.s32 $0x2880;
	s16 =	simm.s32 $0x3080  }
0x6: {  	s17 =	simm.s32 $0x3880;
	s18 =	simm.s32 $0x4080;
	s19 =	simm.s32 $0x4880  }
0x7: {  	s20 =	simm.s32 $0x5080;
	s21 =	simm.s32 $0x5880;
	s22 =	simm.s32 $0x6080  }
0x8: {  	s23 =	simm.s32 $0x6880;
	s24 =	simm.s32 $0x7080;
	s25 =	simm.s32 $0x7880  }
0x9: {  	s26 =	simm.s32 $0x1;
	s3 =	sand.u32 $0x1, s1;
	s1 =	rddreg [dreg:$0x2]  }
0xa: {  	s5 =	sshll.u32 s0, $0x7;
	[smem:$0x7FF] =	sst s2;
	s7 =	sshll.u32 s3, $0x6  }
0xb: {  	_ =	strace $0x80000047;
	s8 =	ssub.s32 $0x2, s3;
	s5 =	sor.u32 s7, s5  }
0xc: {  	s3 =	sadd.s32 $0x1200, s6;
	s9 =	sshrl.u32 s8, $0x1;
	s7 =	sshrl.u32 s5, $0x3  }
0xd: {  	v2 =	vlaneseq.u32;
	s5 =	sshll.u32 s5, $0x6;
	s8 =	ssub.s32 s8, s9;
	s9 =	simm.s32 $0x80  }
0xe: {  	vm0 =	vmmov $0xffff;
	v1 =	vshrl.u32 v2, $0x3;
	s7 =	sadd.s32 s7, s6;
	s4 =	sadd.s32 s4, s5;
	s6 =	sadd.s32 $0x1300, s6  }
0xf: {  	v0 =	vand.u32 $0x7, v2;
	v2 =	vor.u32 $0x8, v2;
	v1 =	vmul.u32 $0x8, v1;
	s8 =	smax.u32 s8, $0x1;
	s5 =	sadd.s32 $0xE00, s7;
	s7 =	sadd.s32 $0x1000, s7  }
.LBB2_1:
0x10: {  	[tilespmem:s9], [sflag:$0x2] =	stream.linear.gather [hbm4b:s4+s2], $0x8000, $0x38;
	[tilespmem:$0x8080] =	vst v63  }
0x11: {  	_ =	swait.ge [sflag:s10], $0x8000  }
0x12: {  	[sflag:s10] =	ssyncset.done $0x0  }
0x13: {  	[sflag:s10] =	ssyncadd.s32 $0xFFFF8000  }
0x14: {  	[tilespmem:s2], [sflag:$0x2] =	stream.linear.gather [hbm4b:s5+s2], $0x40, $0x38;
	[tilespmem:$0x8080] =	vst v63  }
0x15: {  	_ =	swait.ge [sflag:s10], $0x40  }
0x16: {  	[sflag:s10] =	ssyncset.done $0x0  }
0x17: {  	[sflag:s10] =	ssyncadd.s32 $0xFFFFFFC0  }
0x18: {  	v3 =	vld [tilespmem:$0x0];
	_ =	sdelay $0x4  }
0x19: {  	v4 =	vshll.u32 v3, $0x2  }
0x1a: {  	v3 =	vand.u32 $0x7, v3;
	v4 =	vand.u32 $0xFFFFFFE0, v4  }
0x1b: {  	v3 =	vor.u32 v3, v4  }
0x1c: {  	v4 =	vperm.xlane v3, v0;
	_ =	sdelay $0x1  }
0x1d: {  	v4 =	vadd.s32 v1, v4;
	_ =	sdelay $0x1  }
0x1e: {  	v3 =	vperm.xlane v3, v2;
	_ =	sdelay $0x1  }
0x1f: {  	v3 =	vadd.s32 v1, v3  }
0x20: {  	[hbm4b:s3+s2] =	stream.indirect_vreg.scatter [tilespmem:s9], [sflag:$0x1], $0x80, v4, vm0, $0xb8;
	[tilespmem:$0x8080] =	vst v63  }
0x21: {  	_ = 	snop  }
0x22: {  	[hbm4b:s6+s2] =	stream.indirect_vreg.scatter [tilespmem:s11], [sflag:$0x1], $0x80, v4, vm0, $0xb8;
	[tilespmem:$0x8080] =	vst v63  }
0x23: {  	_ = 	snop  }
0x24: {  	[hbm4b:s3+s2] =	stream.indirect_vreg.scatter [tilespmem:s12], [sflag:$0x1], $0x80, v3, vm0, $0xb8;
	[tilespmem:$0x8080] =	vst v63  }
0x25: {  	_ = 	snop  }
0x26: {  	[hbm4b:s6+s2] =	stream.indirect_vreg.scatter [tilespmem:s13], [sflag:$0x1], $0x80, v3, vm0, $0xb8;
	[tilespmem:$0x8080] =	vst v63  }
0x27: {  	v3 =	vld [tilespmem:$0x10];
	_ =	sdelay $0x4  }
0x28: {  	v57 =	vshll.u32 v3, $0x2  }
0x29: {  	v3 =	vand.u32 $0x7, v3;
	v4 =	vand.u32 $0xFFFFFFE0, v57  }
0x2a: {  	v3 =	vor.u32 v3, v4  }
0x2b: {  	v4 =	vperm.xlane v3, v0;
	_ =	sdelay $0x1  }
0x2c: {  	v4 =	vadd.s32 v1, v4;
	_ =	sdelay $0x1  }
0x2d: {  	v3 =	vperm.xlane v3, v2;
	_ =	sdelay $0x1  }
0x2e: {  	v3 =	vadd.s32 v1, v3  }
0x2f: {  	[hbm4b:s3+s2] =	stream.indirect_vreg.scatter [tilespmem:s14], [sflag:$0x1], $0x80, v4, vm0, $0xb8;
	[tilespmem:$0x8080] =	vst v63  }
0x30: {  	_ = 	snop  }
0x31: {  	[hbm4b:s6+s2] =	stream.indirect_vreg.scatter [tilespmem:s15], [sflag:$0x1], $0x80, v4, vm0, $0xb8;
	[tilespmem:$0x8080] =	vst v63  }
0x32: {  	_ = 	snop  }
0x33: {  	[hbm4b:s3+s2] =	stream.indirect_vreg.scatter [tilespmem:s16], [sflag:$0x1], $0x80, v3, vm0, $0xb8;
	[tilespmem:$0x8080] =	vst v63  }
0x34: {  	_ = 	snop  }
0x35: {  	[hbm4b:s6+s2] =	stream.indirect_vreg.scatter [tilespmem:s17], [sflag:$0x1], $0x80, v3, vm0, $0xb8;
	[tilespmem:$0x8080] =	vst v63  }
0x36: {  	v3 =	vld [tilespmem:$0x20];
	_ =	sdelay $0x4  }
0x37: {  	v58 =	vshll.u32 v3, $0x2  }
0x38: {  	v3 =	vand.u32 $0x7, v3;
	v4 =	vand.u32 $0xFFFFFFE0, v58  }
0x39: {  	v3 =	vor.u32 v3, v4  }
0x3a: {  	v4 =	vperm.xlane v3, v0;
	_ =	sdelay $0x1  }
0x3b: {  	v4 =	vadd.s32 v1, v4;
	_ =	sdelay $0x1  }
0x3c: {  	v3 =	vperm.xlane v3, v2;
	_ =	sdelay $0x1  }
0x3d: {  	v3 =	vadd.s32 v1, v3  }
0x3e: {  	[hbm4b:s3+s2] =	stream.indirect_vreg.scatter [tilespmem:s18], [sflag:$0x1], $0x80, v4, vm0, $0xb8;
	[tilespmem:$0x8080] =	vst v63  }
0x3f: {  	_ = 	snop  }
0x40: {  	[hbm4b:s6+s2] =	stream.indirect_vreg.scatter [tilespmem:s19], [sflag:$0x1], $0x80, v4, vm0, $0xb8;
	[tilespmem:$0x8080] =	vst v63  }
0x41: {  	_ = 	snop  }
0x42: {  	[hbm4b:s3+s2] =	stream.indirect_vreg.scatter [tilespmem:s20], [sflag:$0x1], $0x80, v3, vm0, $0xb8;
	[tilespmem:$0x8080] =	vst v63  }
0x43: {  	_ = 	snop  }
0x44: {  	[hbm4b:s6+s2] =	stream.indirect_vreg.scatter [tilespmem:s21], [sflag:$0x1], $0x80, v3, vm0, $0xb8;
	[tilespmem:$0x8080] =	vst v63  }
0x45: {  	v3 =	vld [tilespmem:$0x30];
	_ =	sdelay $0x4  }
0x46: {  	v59 =	vshll.u32 v3, $0x2  }
0x47: {  	v3 =	vand.u32 $0x7, v3;
	v4 =	vand.u32 $0xFFFFFFE0, v59  }
0x48: {  	v3 =	vor.u32 v3, v4  }
0x49: {  	v4 =	vperm.xlane v3, v0;
	_ =	sdelay $0x1  }
0x4a: {  	v4 =	vadd.s32 v1, v4;
	_ =	sdelay $0x1  }
0x4b: {  	v3 =	vperm.xlane v3, v2;
	_ =	sdelay $0x1  }
0x4c: {  	v3 =	vadd.s32 v1, v3  }
0x4d: {  	[hbm4b:s3+s2] =	stream.indirect_vreg.scatter [tilespmem:s22], [sflag:$0x1], $0x80, v4, vm0, $0xb8;
	[tilespmem:$0x8080] =	vst v63  }
0x4e: {  	_ = 	snop  }
0x4f: {  	[hbm4b:s6+s2] =	stream.indirect_vreg.scatter [tilespmem:s23], [sflag:$0x1], $0x80, v4, vm0, $0xb8;
	[tilespmem:$0x8080] =	vst v63  }
0x50: {  	_ = 	snop  }
0x51: {  	[hbm4b:s3+s2] =	stream.indirect_vreg.scatter [tilespmem:s24], [sflag:$0x1], $0x80, v3, vm0, $0xb8;
	[tilespmem:$0x8080] =	vst v63  }
0x52: {  	_ = 	snop  }
0x53: {  	[hbm4b:s6+s2] =	stream.indirect_vreg.scatter [tilespmem:s25], [sflag:$0x1], $0x80, v3, vm0, $0xb8;
	[tilespmem:$0x8080] =	vst v63  }
0x54: {  	_ =	swait.ge [sflag:s26], $0x8000  }
0x55: {  	[sflag:s26] =	ssyncset.done $0x0  }
0x56: {  	[sflag:s26] =	ssyncadd.s32 $0xFFFF8000  }
0x57: {  	[tilespmem:s2], [sflag:$0x2] =	stream.linear.gather [hbm4b:s7+s2], $0x40, $0x38;
	[tilespmem:$0x8080] =	vst v63  }
0x58: {  	_ =	swait.ge [sflag:s10], $0x40  }
0x59: {  	[sflag:s10] =	ssyncset.done $0x0  }
0x5a: {  	[sflag:s10] =	ssyncadd.s32 $0xFFFFFFC0  }
0x5b: {  	v3 =	vld [tilespmem:$0x0];
	_ =	sdelay $0x4  }
0x5c: {  	v60 =	vshll.u32 v3, $0x2  }
0x5d: {  	v3 =	vand.u32 $0x7, v3;
	v4 =	vand.u32 $0xFFFFFFE0, v60  }
0x5e: {  	v3 =	vor.u32 v3, v4  }
0x5f: {  	v4 =	vperm.xlane v3, v0;
	_ =	sdelay $0x1  }
0x60: {  	v4 =	vadd.s32 v1, v4;
	_ =	sdelay $0x1  }
0x61: {  	v3 =	vperm.xlane v3, v2;
	_ =	sdelay $0x1  }
0x62: {  	v3 =	vadd.s32 v1, v3  }
0x63: {  	[hbm4b:s3+s2] =	stream.indirect_vreg.scatter [tilespmem:s9], [sflag:$0x1], $0x80, v4, vm0, $0xb8;
	[tilespmem:$0x8080] =	vst v63  }
0x64: {  	_ = 	snop  }
0x65: {  	[hbm4b:s6+s2] =	stream.indirect_vreg.scatter [tilespmem:s11], [sflag:$0x1], $0x80, v4, vm0, $0xb8;
	[tilespmem:$0x8080] =	vst v63  }
0x66: {  	_ = 	snop  }
0x67: {  	[hbm4b:s3+s2] =	stream.indirect_vreg.scatter [tilespmem:s12], [sflag:$0x1], $0x80, v3, vm0, $0xb8;
	[tilespmem:$0x8080] =	vst v63  }
0x68: {  	_ = 	snop  }
0x69: {  	[hbm4b:s6+s2] =	stream.indirect_vreg.scatter [tilespmem:s13], [sflag:$0x1], $0x80, v3, vm0, $0xb8;
	[tilespmem:$0x8080] =	vst v63  }
0x6a: {  	v3 =	vld [tilespmem:$0x10];
	_ =	sdelay $0x4  }
0x6b: {  	v61 =	vshll.u32 v3, $0x2  }
0x6c: {  	v3 =	vand.u32 $0x7, v3;
	v4 =	vand.u32 $0xFFFFFFE0, v61  }
0x6d: {  	v3 =	vor.u32 v3, v4  }
0x6e: {  	v4 =	vperm.xlane v3, v0;
	_ =	sdelay $0x1  }
0x6f: {  	v4 =	vadd.s32 v1, v4;
	_ =	sdelay $0x1  }
0x70: {  	v3 =	vperm.xlane v3, v2;
	_ =	sdelay $0x1  }
0x71: {  	v3 =	vadd.s32 v1, v3  }
0x72: {  	[hbm4b:s3+s2] =	stream.indirect_vreg.scatter [tilespmem:s14], [sflag:$0x1], $0x80, v4, vm0, $0xb8;
	[tilespmem:$0x8080] =	vst v63  }
0x73: {  	_ = 	snop  }
0x74: {  	[hbm4b:s6+s2] =	stream.indirect_vreg.scatter [tilespmem:s15], [sflag:$0x1], $0x80, v4, vm0, $0xb8;
	[tilespmem:$0x8080] =	vst v63  }
0x75: {  	_ = 	snop  }
0x76: {  	[hbm4b:s3+s2] =	stream.indirect_vreg.scatter [tilespmem:s16], [sflag:$0x1], $0x80, v3, vm0, $0xb8;
	[tilespmem:$0x8080] =	vst v63  }
0x77: {  	_ = 	snop  }
0x78: {  	[hbm4b:s6+s2] =	stream.indirect_vreg.scatter [tilespmem:s17], [sflag:$0x1], $0x80, v3, vm0, $0xb8;
	[tilespmem:$0x8080] =	vst v63  }
0x79: {  	v3 =	vld [tilespmem:$0x20];
	_ =	sdelay $0x4  }
0x7a: {  	v62 =	vshll.u32 v3, $0x2  }
0x7b: {  	v3 =	vand.u32 $0x7, v3;
	v4 =	vand.u32 $0xFFFFFFE0, v62  }
0x7c: {  	v3 =	vor.u32 v3, v4  }
0x7d: {  	v4 =	vperm.xlane v3, v0;
	_ =	sdelay $0x1  }
0x7e: {  	v4 =	vadd.s32 v1, v4;
	_ =	sdelay $0x1  }
0x7f: {  	v3 =	vperm.xlane v3, v2;
	_ =	sdelay $0x1  }
0x80: {  	v3 =	vadd.s32 v1, v3  }
0x81: {  	[hbm4b:s3+s2] =	stream.indirect_vreg.scatter [tilespmem:s18], [sflag:$0x1], $0x80, v4, vm0, $0xb8;
	[tilespmem:$0x8080] =	vst v63  }
0x82: {  	_ = 	snop  }
0x83: {  	[hbm4b:s6+s2] =	stream.indirect_vreg.scatter [tilespmem:s19], [sflag:$0x1], $0x80, v4, vm0, $0xb8;
	[tilespmem:$0x8080] =	vst v63  }
0x84: {  	_ = 	snop  }
0x85: {  	[hbm4b:s3+s2] =	stream.indirect_vreg.scatter [tilespmem:s20], [sflag:$0x1], $0x80, v3, vm0, $0xb8;
	[tilespmem:$0x8080] =	vst v63  }
0x86: {  	_ = 	snop  }
0x87: {  	[hbm4b:s6+s2] =	stream.indirect_vreg.scatter [tilespmem:s21], [sflag:$0x1], $0x80, v3, vm0, $0xb8;
	[tilespmem:$0x8080] =	vst v63  }
0x88: {  	v3 =	vld [tilespmem:$0x30];
	_ =	sdelay $0x4  }
0x89: {  	v63 =	vshll.u32 v3, $0x2  }
0x8a: {  	v3 =	vand.u32 $0x7, v3;
	v4 =	vand.u32 $0xFFFFFFE0, v63  }
0x8b: {  	v3 =	vor.u32 v3, v4  }
0x8c: {  	v4 =	vperm.xlane v3, v0;
	_ =	sdelay $0x1  }
0x8d: {  	v4 =	vadd.s32 v1, v4;
	_ =	sdelay $0x1  }
0x8e: {  	v3 =	vperm.xlane v3, v2;
	_ =	sdelay $0x1  }
0x8f: {  	v3 =	vadd.s32 v1, v3  }
0x90: {  	[hbm4b:s3+s2] =	stream.indirect_vreg.scatter [tilespmem:s22], [sflag:$0x1], $0x80, v4, vm0, $0xb8;
	[tilespmem:$0x8080] =	vst v63  }
0x91: {  	_ = 	snop  }
0x92: {  	[hbm4b:s6+s2] =	stream.indirect_vreg.scatter [tilespmem:s23], [sflag:$0x1], $0x80, v4, vm0, $0xb8;
	[tilespmem:$0x8080] =	vst v63  }
0x93: {  	p0 =	sne.s32 s8, $0x1  }
0x94: {  	[hbm4b:s3+s2] =	stream.indirect_vreg.scatter [tilespmem:s24], [sflag:$0x1], $0x80, v3, vm0, $0xb8;
	[tilespmem:$0x8080] =	vst v63  }
.Ltmp0:
0x95: {  	_ = 	snop;
	(pc) =	sbr.rel @p0 .LBB2_1-.Ltmp0, $4  }
0x96: {  	[hbm4b:s6+s2] =	stream.indirect_vreg.scatter [tilespmem:s25], [sflag:$0x1], $0x80, v3, vm0, $0xb8;
	[tilespmem:$0x8080] =	vst v63  }
0x97: {  	_ =	swait.ge [sflag:s26], $0x8000  }
0x98: {  	[sflag:s26] =	ssyncset.done $0x0  }
0x99: {  	s8 =	sadd.s32 $0xFFFFFFFF, s8;
	[sflag:s26] =	ssyncadd.s32 $0xFFFF8000  }
0x9a: {  	_ =	sfence.sel $0x180000  }
0x9b: {  	[bflag:$0x0] =	sbarrier.arrive $0xFFFF  }
0x9c: {  	p0 =	sne.s32 s0, $0x0;
	_ =	strace $0x90000047  }
0x9d: {  	s0 =	sadd.s32 @!p0 $0x100000, s1;
	[bflag:$0x2] =	sbarrier.arrive $0xFFFF  }
0x9e: {  	[sflag:s0] =	ssyncadd.tile.s32 @!p0 $0x1;
	_ =	shalt  }
.Lfunc_end2:
_tile_overlayer_lowered:
.L_overlay_start_2:
0x9f: {  	(tag) =	ssettag $0x2  }
0xa0: {  	s0 =	rddreg [dreg:$0x0];
	s2 =	stileid.u32  }
0xa1: {  	s1 =	rddreg [dreg:$0x1];
	p0 =	sne.s32 s2, $0x0  }
0xa2: {  	s3 =	rddreg [dreg:$0x2];
	[bflag:$0x3] =	sbarrier.arrive $0xFFFF;
	s2 =	simm.s32 @!p0 $0x1C02  }
0xa3: {  	[timem:s3], [sflag:s2] =	dma.local @!p0 [hbm:s0], s1  }
0xa4: {  	s0 =	simm.s32 @!p0 $0x2  }
0xa5: {  	_ =	swait.ge @!p0 [sflag:s0], s1  }
0xa6: {  	s1 =	ssub.s32 @!p0 $0x0, s1;
	[sflag:s0] =	ssyncset.done @!p0 $0x0  }
0xa7: {  	[sflag:s0] =	ssyncadd.s32 @!p0 s1  }
0xa8: {  	[bflag:$0x3] =	sbarrier.arrive $0xFFFF  }
0xa9: {  	_ =	shalt  }

</sc_bundles>
